<compile_context>
chip_gen: v7x
topology: tpu7x:2x2x1
jax: 0.10.2.dev20260603
libtpu: 0.0.44.dev20260713+nightly
codegen_flags: <defaults>
</compile_context>

<pallas_src>
import functools

import jax
import jax.numpy as jnp
from jax import lax
from jax.experimental import pallas as pl
from jax.experimental.pallas import tpu as pltpu
from jax.experimental.pallas import tpu_sc as plsc

DIM = 32
C = 20
LANES = 16
NUM_CORES = 2
NUM_SUBCORES = 16
NUM_WORKERS = NUM_CORES * NUM_SUBCORES


def _tree_add(vals):
    vals = list(vals)
    while len(vals) > 1:
        nxt = [vals[i] + vals[i + 1] for i in range(0, len(vals) - 1, 2)]
        if len(vals) % 2:
            nxt.append(vals[-1])
        vals = nxt
    return vals[0]


@functools.partial(jax.jit, static_argnames=("n_tokens", "chunk"))
def _sc_embed(idx, table, *, n_tokens, chunk):
    tpw = n_tokens // NUM_WORKERS
    iters = tpw // chunk
    idxn = chunk * C

    mesh = plsc.VectorSubcoreMesh(
        core_axis_name="c", subcore_axis_name="s",
        num_cores=NUM_CORES, num_subcores=NUM_SUBCORES,
    )

    @functools.partial(
        pl.kernel,
        out_type=jax.ShapeDtypeStruct((n_tokens, DIM), jnp.float32),
        mesh=mesh,
        compiler_params=pltpu.CompilerParams(
            needs_layout_passes=False, use_tc_tiling_on_sc=False),
        scratch_types=[
            pltpu.VMEM((idxn,), jnp.int32),
            pltpu.VMEM((idxn, DIM), jnp.float32),
            pltpu.VMEM((chunk, DIM), jnp.float32),
            pltpu.VMEM((1, DIM), jnp.float32),
            pltpu.VMEM((chunk,), jnp.float32),
            pltpu.VMEM((chunk,), jnp.float32),
            pltpu.SemaphoreType.DMA,
        ],
    )
    def k(idx_hbm, table_hbm, out_hbm, idx_v, rows_v, out_v, t0_v,
          rden_v, n0f_v, gsem):
        wid = lax.axis_index("s") * NUM_CORES + lax.axis_index("c")
        pltpu.sync_copy(table_hbm.at[pl.ds(0, 1)], t0_v)
        t0a = t0_v[0, pl.ds(0, LANES)]
        t0b = t0_v[0, pl.ds(LANES, LANES)]
        lane = lax.iota(jnp.int32, 16)

        def do_chunk(it, _):
            tok_base = wid * tpw + it * chunk
            pltpu.sync_copy(idx_hbm.at[pl.ds(tok_base * C, idxn)], idx_v)
            pltpu.async_copy(table_hbm.at[idx_v], rows_v, gsem).wait()

            def grp_body(g, _):
                ibase = (g * LANES + lane) * C
                acc = jnp.zeros((LANES,), jnp.int32)
                for c in range(C):
                    v = plsc.load_gather(idx_v, [ibase + c])
                    acc = acc + jnp.where(v == 0, 1, 0)
                denom = jnp.maximum(C - acc, 1).astype(jnp.float32)
                rden_v[pl.ds(g * LANES, LANES)] = 1.0 / denom
                n0f_v[pl.ds(g * LANES, LANES)] = acc.astype(jnp.float32)
                return _

            lax.fori_loop(0, chunk // LANES, grp_body, None)

            def tok_body(t, _):
                rbase = t * C
                h0 = [rows_v[rbase + c, pl.ds(0, LANES)] for c in range(C)]
                h1 = [rows_v[rbase + c, pl.ds(LANES, LANES)] for c in range(C)]
                s0 = _tree_add(h0)
                s1 = _tree_add(h1)
                tfull = jnp.full((LANES,), t, jnp.int32)
                rden = plsc.load_gather(rden_v, [tfull])
                n0f = plsc.load_gather(n0f_v, [tfull])
                out_v[t, pl.ds(0, LANES)] = (s0 - n0f * t0a) * rden
                out_v[t, pl.ds(LANES, LANES)] = (s1 - n0f * t0b) * rden
                return _

            lax.fori_loop(0, chunk, tok_body, None)
            pltpu.sync_copy(out_v, out_hbm.at[pl.ds(tok_base, chunk)])
            return _

        lax.fori_loop(0, iters, do_chunk, None)

    return k(idx, table)


def kernel(input, table):
    B, T, Cdim = input.shape
    n_tokens = B * T
    idx = input.reshape(-1)
    out = _sc_embed(idx, table, n_tokens=n_tokens, chunk=64)
    return out.reshape(B, T, DIM)

# --- scband reference (transcript-rebuilt; emitter-appended) ---
"""Pipeline reference for scband-character-ngram-embedder-35218731827221 (READ-ONLY COPY).

The authoritative reference and input builder live on the scoring server;
editing this copy changes nothing except your own understanding.
"""

import jax, jax.numpy as jnp
import numpy as np

VOCAB = 100000
DIM = 32
PAD = 0


def setup_inputs(seed: int = 0) -> dict:
    key = jax.random.key(seed)
    k1, k2 = jax.random.split(key)
    inp = jax.random.randint(k1, (1024, 50, 20), 0, VOCAB, dtype=jnp.int32)
    table = jax.random.normal(k2, (VOCAB, DIM), dtype=jnp.float32)
    return {"input": inp, "table": table}


def reference(input, table):
    B, T, C = input.shape
    chars = input.reshape(-1, C)                      # [B*T, C]
    char_embs = jnp.take(table, chars, axis=0)        # [B*T, C, D] gather
    pad_mask = chars == PAD                           # [B*T, C]
    char_embs = jnp.where(pad_mask[..., None], 0.0, char_embs)
    x = jnp.sum(char_embs, axis=1)                    # [B*T, D]
    non_pad = (~pad_mask).astype(jnp.int32)
    char_counts = jnp.clip(jnp.sum(non_pad, axis=-1), 1, None)
    x = x / char_counts[:, None].astype(x.dtype)
    return x.reshape(B, T, DIM)

if __name__ == "__main__":
    import jax
    _d = setup_inputs()
    print(jax.jit(kernel)(*tuple(_d.values())))

</pallas_src>

<mosaic_0001>
#map = affine_map<(d0, d1) -> (0)>
#map1 = affine_map<(d0, d1) -> (0, 0)>
module attributes {stable_mosaic.version = 14 : i64} {
  func.func @k(%arg0: i32, %arg1: i32, %arg2: memref<1024000xi32, #tpu.memory_space<hbm>>, %arg3: memref<100000x32xf32, #tpu.memory_space<hbm>>, %arg4: memref<51200x32xf32, #tpu.memory_space<hbm>>, %arg5: memref<1280xi32, #tpu.memory_space<vmem>>, %arg6: memref<1280x32xf32, #tpu.memory_space<vmem>>, %arg7: memref<64x32xf32, #tpu.memory_space<vmem>>, %arg8: memref<1x32xf32, #tpu.memory_space<vmem>>, %arg9: memref<64xf32, #tpu.memory_space<vmem>>, %arg10: memref<64xf32, #tpu.memory_space<vmem>>, %arg11: memref<!tpu.dma_semaphore, #tpu.memory_space<semaphore_mem>>) attributes {dimension_semantics = [#tpu.dimension_semantics<core_parallel>, #tpu.dimension_semantics<subcore_parallel>], iteration_bounds = array<i64: 2, 16>, scalar_prefetch = 0 : i64, scratch_operands = 7 : i64, tpu.core_type = #tpu.core_type<sc_vector_subcore>, window_params = [{transform_indices = #map}, {transform_indices = #map1}, {transform_indices = #map1}]} {
    %mul3A = arith.constant 2 : i32
    %mul3A_0 = arith.muli %arg1, %mul3A : i32
    %add3A = arith.addi %mul3A_0, %arg0 : i32
    "tpu.region"() ({
      %run_scoped3A = tpu.sem_alloc : memref<!tpu.dma_semaphore, #tpu.memory_space<semaphore_mem>>
      %dma_start3A = arith.constant 0 : i32
      %dma_start3A_12 = arith.constant 0 : i32
      %dma_start3A_13 = tpu.memref_slice %arg3[%dma_start3A, %dma_start3A_12] : memref<100000x32xf32, #tpu.memory_space<hbm>> -> memref<1x32xf32, #tpu.memory_space<hbm>>
      %dma_start3A_14 = arith.constant 0 : i32
      %dma_start3A_15 = arith.constant 0 : i32
      %dma_start3A_16 = tpu.memref_slice %arg3[%dma_start3A_14, %dma_start3A_15] : memref<100000x32xf32, #tpu.memory_space<hbm>> -> memref<1x32xf32, #tpu.memory_space<hbm>>
      tpu.enqueue_dma source(%dma_start3A_16 : memref<1x32xf32, #tpu.memory_space<hbm>>) target(%arg8 : memref<1x32xf32, #tpu.memory_space<vmem>>) target_semaphore(%run_scoped3A : memref<!tpu.dma_semaphore, #tpu.memory_space<semaphore_mem>>)
      %dma_wait3A = arith.constant 0 : i32
      %dma_wait3A_17 = arith.constant 0 : i32
      %dma_wait3A_18 = tpu.memref_slice %arg3[%dma_wait3A, %dma_wait3A_17] : memref<100000x32xf32, #tpu.memory_space<hbm>> -> memref<1x32xf32, #tpu.memory_space<hbm>>
      %dma_wait3A_19 = arith.constant 0 : i32
      %dma_wait3A_20 = arith.constant 0 : i32
      %dma_wait3A_21 = tpu.memref_slice %arg3[%dma_wait3A_19, %dma_wait3A_20] : memref<100000x32xf32, #tpu.memory_space<hbm>> -> memref<1x32xf32, #tpu.memory_space<hbm>>
      tpu.wait_dma2 semaphore(%run_scoped3A : memref<!tpu.dma_semaphore, #tpu.memory_space<semaphore_mem>>) src(%dma_wait3A_21 : memref<1x32xf32, #tpu.memory_space<hbm>>) dst(%arg8 : memref<1x32xf32, #tpu.memory_space<vmem>>)
      tpu.yield
    }) : () -> ()
    %get3A = arith.constant 0 : i32
    %get3A_1 = arith.index_cast %get3A : i32 to index
    %get3A_2 = arith.constant 0 : index
    %get3A_3 = tpu.vector_load %arg8[%get3A_1, %get3A_2] {strides = array<i32>} : memref<1x32xf32, #tpu.memory_space<vmem>>, vector<16xf32>,
    %get3A_4 = arith.constant 0 : i32
    %get3A_5 = arith.index_cast %get3A_4 : i32 to index
    %get3A_6 = arith.constant 16 : index
    %get3A_7 = tpu.vector_load %arg8[%get3A_5, %get3A_6] {strides = array<i32>} : memref<1x32xf32, #tpu.memory_space<vmem>>, vector<16xf32>,
    %iota3A = tpu.iota {dimensions = array<i32: 0>} : vector<16xi32>
    %scan3A = arith.constant 0 : i32
    %scan3A_8 = arith.constant 25 : i32
    %scan3A_9 = arith.addi %scan3A, %scan3A_8 : i32
    %scan3A_10 = arith.constant 1 : i32
    scf.for %scan3A_12 = %scan3A to %scan3A_9 step %scan3A_10  : i32 {
      %mul3A_13 = arith.constant 1600 : i32
      %mul3A_14 = arith.muli %add3A, %mul3A_13 : i32
      %mul3A_15 = arith.constant 64 : i32
      %mul3A_16 = arith.muli %scan3A_12, %mul3A_15 : i32
      %add3A_17 = arith.addi %mul3A_14, %mul3A_16 : i32
      %mul3A_18 = arith.constant 20 : i32
      %mul3A_19 = arith.muli %add3A_17, %mul3A_18 : i32
      "tpu.region"() ({
        %run_scoped3A = tpu.sem_alloc : memref<!tpu.dma_semaphore, #tpu.memory_space<semaphore_mem>>
        %dma_start3A_34 = tpu.memref_slice %arg2[%mul3A_19] : memref<1024000xi32, #tpu.memory_space<hbm>> -> memref<1280xi32, #tpu.memory_space<hbm>>
        %dma_start3A_35 = tpu.memref_slice %arg2[%mul3A_19] : memref<1024000xi32, #tpu.memory_space<hbm>> -> memref<1280xi32, #tpu.memory_space<hbm>>
        tpu.enqueue_dma source(%dma_start3A_35 : memref<1280xi32, #tpu.memory_space<hbm>>) target(%arg5 : memref<1280xi32, #tpu.memory_space<vmem>>) target_semaphore(%run_scoped3A : memref<!tpu.dma_semaphore, #tpu.memory_space<semaphore_mem>>)
        %dma_wait3A_36 = tpu.memref_slice %arg2[%mul3A_19] : memref<1024000xi32, #tpu.memory_space<hbm>> -> memref<1280xi32, #tpu.memory_space<hbm>>
        %dma_wait3A_37 = tpu.memref_slice %arg2[%mul3A_19] : memref<1024000xi32, #tpu.memory_space<hbm>> -> memref<1280xi32, #tpu.memory_space<hbm>>
        tpu.wait_dma2 semaphore(%run_scoped3A : memref<!tpu.dma_semaphore, #tpu.memory_space<semaphore_mem>>) src(%dma_wait3A_37 : memref<1280xi32, #tpu.memory_space<hbm>>) dst(%arg5 : memref<1280xi32, #tpu.memory_space<vmem>>)
        tpu.yield
      }) : () -> ()
      %dma_start3A = arith.constant 0 : i32
      %dma_start3A_20 = arith.constant 0 : i32
      %dma_start3A_21 = tpu.memref_slice %arg3[%dma_start3A, %dma_start3A_20] : memref<100000x32xf32, #tpu.memory_space<hbm>> -> memref<100000x32xf32, #tpu.memory_space<hbm>>
      tpu.enqueue_indirect_dma source(%dma_start3A_21 : memref<100000x32xf32, #tpu.memory_space<hbm>>) target(%arg6 : memref<1280x32xf32, #tpu.memory_space<vmem>>) offsets(%arg5 : memref<1280xi32, #tpu.memory_space<vmem>>) semaphore(%arg11 : memref<!tpu.dma_semaphore, #tpu.memory_space<semaphore_mem>>)
      %dma_wait3A = arith.constant 0 : i32
      %dma_wait3A_22 = arith.constant 0 : i32
      %dma_wait3A_23 = tpu.memref_slice %arg3[%dma_wait3A, %dma_wait3A_22] : memref<100000x32xf32, #tpu.memory_space<hbm>> -> memref<100000x32xf32, #tpu.memory_space<hbm>>
      tpu.wait_indirect_dma semaphore(%arg11 : memref<!tpu.dma_semaphore, #tpu.memory_space<semaphore_mem>>) src(%dma_wait3A_23 : memref<100000x32xf32, #tpu.memory_space<hbm>>) dst(%arg6 : memref<1280x32xf32, #tpu.memory_space<vmem>>)
      %scan3A_24 = arith.constant 0 : i32
      %scan3A_25 = arith.constant 4 : i32
      %scan3A_26 = arith.addi %scan3A_24, %scan3A_25 : i32
      %scan3A_27 = arith.constant 1 : i32
      scf.for %scan3A_34 = %scan3A_24 to %scan3A_26 step %scan3A_27  : i32 {
        %mul3A_35 = arith.constant 16 : i32
        %mul3A_36 = arith.muli %scan3A_34, %mul3A_35 : i32
        %add3A_37 = vector.broadcast %mul3A_36 : i32 to vector<16xi32>
        %add3A_38 = arith.addi %add3A_37, %iota3A : vector<16xi32>
        %mul3A_39 = arith.constant 20 : i32
        %mul3A_40 = vector.broadcast %mul3A_39 : i32 to vector<16xi32>
        %mul3A_41 = arith.muli %add3A_38, %mul3A_40 : vector<16xi32>
        %broadcast_in_dim3A = arith.constant 0 : i32
        %broadcast_in_dim3A_42 = vector.broadcast %broadcast_in_dim3A : i32 to vector<16xi32>
        %add3A_43 = arith.constant 0 : i32
        %add3A_44 = vector.broadcast %add3A_43 : i32 to vector<16xi32>
        %add3A_45 = arith.addi %mul3A_41, %add3A_44 : vector<16xi32>
        %gather3A = tpu.vector_load_idx %arg5[%add3A_45] : memref<1280xi32, #tpu.memory_space<vmem>>[vector<16xi32>], vector<16xi32>,
        %eq3A = arith.constant 0 : i32
        %eq3A_46 = vector.broadcast %eq3A : i32 to vector<16xi32>
        %eq3A_47 = arith.cmpi eq, %gather3A, %eq3A_46 : vector<16xi32>
        %jit3A = arith.constant 1 : i32
        %jit3A_48 = arith.constant 0 : i32
        %broadcast_in_dim3A_49 = vector.broadcast %jit3A : i32 to vector<16xi32>
        %broadcast_in_dim3A_50 = vector.broadcast %jit3A_48 : i32 to vector<16xi32>
        %select_n3A = arith.select %eq3A_47, %broadcast_in_dim3A_49, %broadcast_in_dim3A_50 : vector<16xi1>, vector<16xi32>
        %add3A_51 = arith.addi %broadcast_in_dim3A_42, %select_n3A : vector<16xi32>
        %add3A_52 = arith.constant 1 : i32
        %add3A_53 = vector.broadcast %add3A_52 : i32 to vector<16xi32>
        %add3A_54 = arith.addi %mul3A_41, %add3A_53 : vector<16xi32>
        %gather3A_55 = tpu.vector_load_idx %arg5[%add3A_54] : memref<1280xi32, #tpu.memory_space<vmem>>[vector<16xi32>], vector<16xi32>,
        %eq3A_56 = arith.constant 0 : i32
        %eq3A_57 = vector.broadcast %eq3A_56 : i32 to vector<16xi32>
        %eq3A_58 = arith.cmpi eq, %gather3A_55, %eq3A_57 : vector<16xi32>
        %jit3A_59 = arith.constant 1 : i32
        %jit3A_60 = arith.constant 0 : i32
        %broadcast_in_dim3A_61 = vector.broadcast %jit3A_59 : i32 to vector<16xi32>
        %broadcast_in_dim3A_62 = vector.broadcast %jit3A_60 : i32 to vector<16xi32>
        %select_n3A_63 = arith.select %eq3A_58, %broadcast_in_dim3A_61, %broadcast_in_dim3A_62 : vector<16xi1>, vector<16xi32>
        %add3A_64 = arith.addi %add3A_51, %select_n3A_63 : vector<16xi32>
        %add3A_65 = arith.constant 2 : i32
        %add3A_66 = vector.broadcast %add3A_65 : i32 to vector<16xi32>
        %add3A_67 = arith.addi %mul3A_41, %add3A_66 : vector<16xi32>
        %gather3A_68 = tpu.vector_load_idx %arg5[%add3A_67] : memref<1280xi32, #tpu.memory_space<vmem>>[vector<16xi32>], vector<16xi32>,
        %eq3A_69 = arith.constant 0 : i32
        %eq3A_70 = vector.broadcast %eq3A_69 : i32 to vector<16xi32>
        %eq3A_71 = arith.cmpi eq, %gather3A_68, %eq3A_70 : vector<16xi32>
        %jit3A_72 = arith.constant 1 : i32
        %jit3A_73 = arith.constant 0 : i32
        %broadcast_in_dim3A_74 = vector.broadcast %jit3A_72 : i32 to vector<16xi32>
        %broadcast_in_dim3A_75 = vector.broadcast %jit3A_73 : i32 to vector<16xi32>
        %select_n3A_76 = arith.select %eq3A_71, %broadcast_in_dim3A_74, %broadcast_in_dim3A_75 : vector<16xi1>, vector<16xi32>
        %add3A_77 = arith.addi %add3A_64, %select_n3A_76 : vector<16xi32>
        %add3A_78 = arith.constant 3 : i32
        %add3A_79 = vector.broadcast %add3A_78 : i32 to vector<16xi32>
        %add3A_80 = arith.addi %mul3A_41, %add3A_79 : vector<16xi32>
        %gather3A_81 = tpu.vector_load_idx %arg5[%add3A_80] : memref<1280xi32, #tpu.memory_space<vmem>>[vector<16xi32>], vector<16xi32>,
        %eq3A_82 = arith.constant 0 : i32
        %eq3A_83 = vector.broadcast %eq3A_82 : i32 to vector<16xi32>
        %eq3A_84 = arith.cmpi eq, %gather3A_81, %eq3A_83 : vector<16xi32>
        %jit3A_85 = arith.constant 1 : i32
        %jit3A_86 = arith.constant 0 : i32
        %broadcast_in_dim3A_87 = vector.broadcast %jit3A_85 : i32 to vector<16xi32>
        %broadcast_in_dim3A_88 = vector.broadcast %jit3A_86 : i32 to vector<16xi32>
        %select_n3A_89 = arith.select %eq3A_84, %broadcast_in_dim3A_87, %broadcast_in_dim3A_88 : vector<16xi1>, vector<16xi32>
        %add3A_90 = arith.addi %add3A_77, %select_n3A_89 : vector<16xi32>
        %add3A_91 = arith.constant 4 : i32
        %add3A_92 = vector.broadcast %add3A_91 : i32 to vector<16xi32>
        %add3A_93 = arith.addi %mul3A_41, %add3A_92 : vector<16xi32>
        %gather3A_94 = tpu.vector_load_idx %arg5[%add3A_93] : memref<1280xi32, #tpu.memory_space<vmem>>[vector<16xi32>], vector<16xi32>,
        %eq3A_95 = arith.constant 0 : i32
        %eq3A_96 = vector.broadcast %eq3A_95 : i32 to vector<16xi32>
        %eq3A_97 = arith.cmpi eq, %gather3A_94, %eq3A_96 : vector<16xi32>
        %jit3A_98 = arith.constant 1 : i32
        %jit3A_99 = arith.constant 0 : i32
        %broadcast_in_dim3A_100 = vector.broadcast %jit3A_98 : i32 to vector<16xi32>
        %broadcast_in_dim3A_101 = vector.broadcast %jit3A_99 : i32 to vector<16xi32>
        %select_n3A_102 = arith.select %eq3A_97, %broadcast_in_dim3A_100, %broadcast_in_dim3A_101 : vector<16xi1>, vector<16xi32>
        %add3A_103 = arith.addi %add3A_90, %select_n3A_102 : vector<16xi32>
        %add3A_104 = arith.constant 5 : i32
        %add3A_105 = vector.broadcast %add3A_104 : i32 to vector<16xi32>
        %add3A_106 = arith.addi %mul3A_41, %add3A_105 : vector<16xi32>
        %gather3A_107 = tpu.vector_load_idx %arg5[%add3A_106] : memref<1280xi32, #tpu.memory_space<vmem>>[vector<16xi32>], vector<16xi32>,
        %eq3A_108 = arith.constant 0 : i32
        %eq3A_109 = vector.broadcast %eq3A_108 : i32 to vector<16xi32>
        %eq3A_110 = arith.cmpi eq, %gather3A_107, %eq3A_109 : vector<16xi32>
        %jit3A_111 = arith.constant 1 : i32
        %jit3A_112 = arith.constant 0 : i32
        %broadcast_in_dim3A_113 = vector.broadcast %jit3A_111 : i32 to vector<16xi32>
        %broadcast_in_dim3A_114 = vector.broadcast %jit3A_112 : i32 to vector<16xi32>
        %select_n3A_115 = arith.select %eq3A_110, %broadcast_in_dim3A_113, %broadcast_in_dim3A_114 : vector<16xi1>, vector<16xi32>
        %add3A_116 = arith.addi %add3A_103, %select_n3A_115 : vector<16xi32>
        %add3A_117 = arith.constant 6 : i32
        %add3A_118 = vector.broadcast %add3A_117 : i32 to vector<16xi32>
        %add3A_119 = arith.addi %mul3A_41, %add3A_118 : vector<16xi32>
        %gather3A_120 = tpu.vector_load_idx %arg5[%add3A_119] : memref<1280xi32, #tpu.memory_space<vmem>>[vector<16xi32>], vector<16xi32>,
        %eq3A_121 = arith.constant 0 : i32
        %eq3A_122 = vector.broadcast %eq3A_121 : i32 to vector<16xi32>
        %eq3A_123 = arith.cmpi eq, %gather3A_120, %eq3A_122 : vector<16xi32>
        %jit3A_124 = arith.constant 1 : i32
        %jit3A_125 = arith.constant 0 : i32
        %broadcast_in_dim3A_126 = vector.broadcast %jit3A_124 : i32 to vector<16xi32>
        %broadcast_in_dim3A_127 = vector.broadcast %jit3A_125 : i32 to vector<16xi32>
        %select_n3A_128 = arith.select %eq3A_123, %broadcast_in_dim3A_126, %broadcast_in_dim3A_127 : vector<16xi1>, vector<16xi32>
        %add3A_129 = arith.addi %add3A_116, %select_n3A_128 : vector<16xi32>
        %add3A_130 = arith.constant 7 : i32
        %add3A_131 = vector.broadcast %add3A_130 : i32 to vector<16xi32>
        %add3A_132 = arith.addi %mul3A_41, %add3A_131 : vector<16xi32>
        %gather3A_133 = tpu.vector_load_idx %arg5[%add3A_132] : memref<1280xi32, #tpu.memory_space<vmem>>[vector<16xi32>], vector<16xi32>,
        %eq3A_134 = arith.constant 0 : i32
        %eq3A_135 = vector.broadcast %eq3A_134 : i32 to vector<16xi32>
        %eq3A_136 = arith.cmpi eq, %gather3A_133, %eq3A_135 : vector<16xi32>
        %jit3A_137 = arith.constant 1 : i32
        %jit3A_138 = arith.constant 0 : i32
        %broadcast_in_dim3A_139 = vector.broadcast %jit3A_137 : i32 to vector<16xi32>
        %broadcast_in_dim3A_140 = vector.broadcast %jit3A_138 : i32 to vector<16xi32>
        %select_n3A_141 = arith.select %eq3A_136, %broadcast_in_dim3A_139, %broadcast_in_dim3A_140 : vector<16xi1>, vector<16xi32>
        %add3A_142 = arith.addi %add3A_129, %select_n3A_141 : vector<16xi32>
        %add3A_143 = arith.constant 8 : i32
        %add3A_144 = vector.broadcast %add3A_143 : i32 to vector<16xi32>
        %add3A_145 = arith.addi %mul3A_41, %add3A_144 : vector<16xi32>
        %gather3A_146 = tpu.vector_load_idx %arg5[%add3A_145] : memref<1280xi32, #tpu.memory_space<vmem>>[vector<16xi32>], vector<16xi32>,
        %eq3A_147 = arith.constant 0 : i32
        %eq3A_148 = vector.broadcast %eq3A_147 : i32 to vector<16xi32>
        %eq3A_149 = arith.cmpi eq, %gather3A_146, %eq3A_148 : vector<16xi32>
        %jit3A_150 = arith.constant 1 : i32
        %jit3A_151 = arith.constant 0 : i32
        %broadcast_in_dim3A_152 = vector.broadcast %jit3A_150 : i32 to vector<16xi32>
        %broadcast_in_dim3A_153 = vector.broadcast %jit3A_151 : i32 to vector<16xi32>
        %select_n3A_154 = arith.select %eq3A_149, %broadcast_in_dim3A_152, %broadcast_in_dim3A_153 : vector<16xi1>, vector<16xi32>
        %add3A_155 = arith.addi %add3A_142, %select_n3A_154 : vector<16xi32>
        %add3A_156 = arith.constant 9 : i32
        %add3A_157 = vector.broadcast %add3A_156 : i32 to vector<16xi32>
        %add3A_158 = arith.addi %mul3A_41, %add3A_157 : vector<16xi32>
        %gather3A_159 = tpu.vector_load_idx %arg5[%add3A_158] : memref<1280xi32, #tpu.memory_space<vmem>>[vector<16xi32>], vector<16xi32>,
        %eq3A_160 = arith.constant 0 : i32
        %eq3A_161 = vector.broadcast %eq3A_160 : i32 to vector<16xi32>
        %eq3A_162 = arith.cmpi eq, %gather3A_159, %eq3A_161 : vector<16xi32>
        %jit3A_163 = arith.constant 1 : i32
        %jit3A_164 = arith.constant 0 : i32
        %broadcast_in_dim3A_165 = vector.broadcast %jit3A_163 : i32 to vector<16xi32>
        %broadcast_in_dim3A_166 = vector.broadcast %jit3A_164 : i32 to vector<16xi32>
        %select_n3A_167 = arith.select %eq3A_162, %broadcast_in_dim3A_165, %broadcast_in_dim3A_166 : vector<16xi1>, vector<16xi32>
        %add3A_168 = arith.addi %add3A_155, %select_n3A_167 : vector<16xi32>
        %add3A_169 = arith.constant 10 : i32
        %add3A_170 = vector.broadcast %add3A_169 : i32 to vector<16xi32>
        %add3A_171 = arith.addi %mul3A_41, %add3A_170 : vector<16xi32>
        %gather3A_172 = tpu.vector_load_idx %arg5[%add3A_171] : memref<1280xi32, #tpu.memory_space<vmem>>[vector<16xi32>], vector<16xi32>,
        %eq3A_173 = arith.constant 0 : i32
        %eq3A_174 = vector.broadcast %eq3A_173 : i32 to vector<16xi32>
        %eq3A_175 = arith.cmpi eq, %gather3A_172, %eq3A_174 : vector<16xi32>
        %jit3A_176 = arith.constant 1 : i32
        %jit3A_177 = arith.constant 0 : i32
        %broadcast_in_dim3A_178 = vector.broadcast %jit3A_176 : i32 to vector<16xi32>
        %broadcast_in_dim3A_179 = vector.broadcast %jit3A_177 : i32 to vector<16xi32>
        %select_n3A_180 = arith.select %eq3A_175, %broadcast_in_dim3A_178, %broadcast_in_dim3A_179 : vector<16xi1>, vector<16xi32>
        %add3A_181 = arith.addi %add3A_168, %select_n3A_180 : vector<16xi32>
        %add3A_182 = arith.constant 11 : i32
        %add3A_183 = vector.broadcast %add3A_182 : i32 to vector<16xi32>
        %add3A_184 = arith.addi %mul3A_41, %add3A_183 : vector<16xi32>
        %gather3A_185 = tpu.vector_load_idx %arg5[%add3A_184] : memref<1280xi32, #tpu.memory_space<vmem>>[vector<16xi32>], vector<16xi32>,
        %eq3A_186 = arith.constant 0 : i32
        %eq3A_187 = vector.broadcast %eq3A_186 : i32 to vector<16xi32>
        %eq3A_188 = arith.cmpi eq, %gather3A_185, %eq3A_187 : vector<16xi32>
        %jit3A_189 = arith.constant 1 : i32
        %jit3A_190 = arith.constant 0 : i32
        %broadcast_in_dim3A_191 = vector.broadcast %jit3A_189 : i32 to vector<16xi32>
        %broadcast_in_dim3A_192 = vector.broadcast %jit3A_190 : i32 to vector<16xi32>
        %select_n3A_193 = arith.select %eq3A_188, %broadcast_in_dim3A_191, %broadcast_in_dim3A_192 : vector<16xi1>, vector<16xi32>
        %add3A_194 = arith.addi %add3A_181, %select_n3A_193 : vector<16xi32>
        %add3A_195 = arith.constant 12 : i32
        %add3A_196 = vector.broadcast %add3A_195 : i32 to vector<16xi32>
        %add3A_197 = arith.addi %mul3A_41, %add3A_196 : vector<16xi32>
        %gather3A_198 = tpu.vector_load_idx %arg5[%add3A_197] : memref<1280xi32, #tpu.memory_space<vmem>>[vector<16xi32>], vector<16xi32>,
        %eq3A_199 = arith.constant 0 : i32
        %eq3A_200 = vector.broadcast %eq3A_199 : i32 to vector<16xi32>
        %eq3A_201 = arith.cmpi eq, %gather3A_198, %eq3A_200 : vector<16xi32>
        %jit3A_202 = arith.constant 1 : i32
        %jit3A_203 = arith.constant 0 : i32
        %broadcast_in_dim3A_204 = vector.broadcast %jit3A_202 : i32 to vector<16xi32>
        %broadcast_in_dim3A_205 = vector.broadcast %jit3A_203 : i32 to vector<16xi32>
        %select_n3A_206 = arith.select %eq3A_201, %broadcast_in_dim3A_204, %broadcast_in_dim3A_205 : vector<16xi1>, vector<16xi32>
        %add3A_207 = arith.addi %add3A_194, %select_n3A_206 : vector<16xi32>
        %add3A_208 = arith.constant 13 : i32
        %add3A_209 = vector.broadcast %add3A_208 : i32 to vector<16xi32>
        %add3A_210 = arith.addi %mul3A_41, %add3A_209 : vector<16xi32>
        %gather3A_211 = tpu.vector_load_idx %arg5[%add3A_210] : memref<1280xi32, #tpu.memory_space<vmem>>[vector<16xi32>], vector<16xi32>,
        %eq3A_212 = arith.constant 0 : i32
        %eq3A_213 = vector.broadcast %eq3A_212 : i32 to vector<16xi32>
        %eq3A_214 = arith.cmpi eq, %gather3A_211, %eq3A_213 : vector<16xi32>
        %jit3A_215 = arith.constant 1 : i32
        %jit3A_216 = arith.constant 0 : i32
        %broadcast_in_dim3A_217 = vector.broadcast %jit3A_215 : i32 to vector<16xi32>
        %broadcast_in_dim3A_218 = vector.broadcast %jit3A_216 : i32 to vector<16xi32>
        %select_n3A_219 = arith.select %eq3A_214, %broadcast_in_dim3A_217, %broadcast_in_dim3A_218 : vector<16xi1>, vector<16xi32>
        %add3A_220 = arith.addi %add3A_207, %select_n3A_219 : vector<16xi32>
        %add3A_221 = arith.constant 14 : i32
        %add3A_222 = vector.broadcast %add3A_221 : i32 to vector<16xi32>
        %add3A_223 = arith.addi %mul3A_41, %add3A_222 : vector<16xi32>
        %gather3A_224 = tpu.vector_load_idx %arg5[%add3A_223] : memref<1280xi32, #tpu.memory_space<vmem>>[vector<16xi32>], vector<16xi32>,
        %eq3A_225 = arith.constant 0 : i32
        %eq3A_226 = vector.broadcast %eq3A_225 : i32 to vector<16xi32>
        %eq3A_227 = arith.cmpi eq, %gather3A_224, %eq3A_226 : vector<16xi32>
        %jit3A_228 = arith.constant 1 : i32
        %jit3A_229 = arith.constant 0 : i32
        %broadcast_in_dim3A_230 = vector.broadcast %jit3A_228 : i32 to vector<16xi32>
        %broadcast_in_dim3A_231 = vector.broadcast %jit3A_229 : i32 to vector<16xi32>
        %select_n3A_232 = arith.select %eq3A_227, %broadcast_in_dim3A_230, %broadcast_in_dim3A_231 : vector<16xi1>, vector<16xi32>
        %add3A_233 = arith.addi %add3A_220, %select_n3A_232 : vector<16xi32>
        %add3A_234 = arith.constant 15 : i32
        %add3A_235 = vector.broadcast %add3A_234 : i32 to vector<16xi32>
        %add3A_236 = arith.addi %mul3A_41, %add3A_235 : vector<16xi32>
        %gather3A_237 = tpu.vector_load_idx %arg5[%add3A_236] : memref<1280xi32, #tpu.memory_space<vmem>>[vector<16xi32>], vector<16xi32>,
        %eq3A_238 = arith.constant 0 : i32
        %eq3A_239 = vector.broadcast %eq3A_238 : i32 to vector<16xi32>
        %eq3A_240 = arith.cmpi eq, %gather3A_237, %eq3A_239 : vector<16xi32>
        %jit3A_241 = arith.constant 1 : i32
        %jit3A_242 = arith.constant 0 : i32
        %broadcast_in_dim3A_243 = vector.broadcast %jit3A_241 : i32 to vector<16xi32>
        %broadcast_in_dim3A_244 = vector.broadcast %jit3A_242 : i32 to vector<16xi32>
        %select_n3A_245 = arith.select %eq3A_240, %broadcast_in_dim3A_243, %broadcast_in_dim3A_244 : vector<16xi1>, vector<16xi32>
        %add3A_246 = arith.addi %add3A_233, %select_n3A_245 : vector<16xi32>
        %add3A_247 = arith.constant 16 : i32
        %add3A_248 = vector.broadcast %add3A_247 : i32 to vector<16xi32>
        %add3A_249 = arith.addi %mul3A_41, %add3A_248 : vector<16xi32>
        %gather3A_250 = tpu.vector_load_idx %arg5[%add3A_249] : memref<1280xi32, #tpu.memory_space<vmem>>[vector<16xi32>], vector<16xi32>,
        %eq3A_251 = arith.constant 0 : i32
        %eq3A_252 = vector.broadcast %eq3A_251 : i32 to vector<16xi32>
        %eq3A_253 = arith.cmpi eq, %gather3A_250, %eq3A_252 : vector<16xi32>
        %jit3A_254 = arith.constant 1 : i32
        %jit3A_255 = arith.constant 0 : i32
        %broadcast_in_dim3A_256 = vector.broadcast %jit3A_254 : i32 to vector<16xi32>
        %broadcast_in_dim3A_257 = vector.broadcast %jit3A_255 : i32 to vector<16xi32>
        %select_n3A_258 = arith.select %eq3A_253, %broadcast_in_dim3A_256, %broadcast_in_dim3A_257 : vector<16xi1>, vector<16xi32>
        %add3A_259 = arith.addi %add3A_246, %select_n3A_258 : vector<16xi32>
        %add3A_260 = arith.constant 17 : i32
        %add3A_261 = vector.broadcast %add3A_260 : i32 to vector<16xi32>
        %add3A_262 = arith.addi %mul3A_41, %add3A_261 : vector<16xi32>
        %gather3A_263 = tpu.vector_load_idx %arg5[%add3A_262] : memref<1280xi32, #tpu.memory_space<vmem>>[vector<16xi32>], vector<16xi32>,
        %eq3A_264 = arith.constant 0 : i32
        %eq3A_265 = vector.broadcast %eq3A_264 : i32 to vector<16xi32>
        %eq3A_266 = arith.cmpi eq, %gather3A_263, %eq3A_265 : vector<16xi32>
        %jit3A_267 = arith.constant 1 : i32
        %jit3A_268 = arith.constant 0 : i32
        %broadcast_in_dim3A_269 = vector.broadcast %jit3A_267 : i32 to vector<16xi32>
        %broadcast_in_dim3A_270 = vector.broadcast %jit3A_268 : i32 to vector<16xi32>
        %select_n3A_271 = arith.select %eq3A_266, %broadcast_in_dim3A_269, %broadcast_in_dim3A_270 : vector<16xi1>, vector<16xi32>
        %add3A_272 = arith.addi %add3A_259, %select_n3A_271 : vector<16xi32>
        %add3A_273 = arith.constant 18 : i32
        %add3A_274 = vector.broadcast %add3A_273 : i32 to vector<16xi32>
        %add3A_275 = arith.addi %mul3A_41, %add3A_274 : vector<16xi32>
        %gather3A_276 = tpu.vector_load_idx %arg5[%add3A_275] : memref<1280xi32, #tpu.memory_space<vmem>>[vector<16xi32>], vector<16xi32>,
        %eq3A_277 = arith.constant 0 : i32
        %eq3A_278 = vector.broadcast %eq3A_277 : i32 to vector<16xi32>
        %eq3A_279 = arith.cmpi eq, %gather3A_276, %eq3A_278 : vector<16xi32>
        %jit3A_280 = arith.constant 1 : i32
        %jit3A_281 = arith.constant 0 : i32
        %broadcast_in_dim3A_282 = vector.broadcast %jit3A_280 : i32 to vector<16xi32>
        %broadcast_in_dim3A_283 = vector.broadcast %jit3A_281 : i32 to vector<16xi32>
        %select_n3A_284 = arith.select %eq3A_279, %broadcast_in_dim3A_282, %broadcast_in_dim3A_283 : vector<16xi1>, vector<16xi32>
        %add3A_285 = arith.addi %add3A_272, %select_n3A_284 : vector<16xi32>
        %add3A_286 = arith.constant 19 : i32
        %add3A_287 = vector.broadcast %add3A_286 : i32 to vector<16xi32>
        %add3A_288 = arith.addi %mul3A_41, %add3A_287 : vector<16xi32>
        %gather3A_289 = tpu.vector_load_idx %arg5[%add3A_288] : memref<1280xi32, #tpu.memory_space<vmem>>[vector<16xi32>], vector<16xi32>,
        %eq3A_290 = arith.constant 0 : i32
        %eq3A_291 = vector.broadcast %eq3A_290 : i32 to vector<16xi32>
        %eq3A_292 = arith.cmpi eq, %gather3A_289, %eq3A_291 : vector<16xi32>
        %jit3A_293 = arith.constant 1 : i32
        %jit3A_294 = arith.constant 0 : i32
        %broadcast_in_dim3A_295 = vector.broadcast %jit3A_293 : i32 to vector<16xi32>
        %broadcast_in_dim3A_296 = vector.broadcast %jit3A_294 : i32 to vector<16xi32>
        %select_n3A_297 = arith.select %eq3A_292, %broadcast_in_dim3A_295, %broadcast_in_dim3A_296 : vector<16xi1>, vector<16xi32>
        %add3A_298 = arith.addi %add3A_285, %select_n3A_297 : vector<16xi32>
        %sub3A = arith.constant 20 : i32
        %sub3A_299 = vector.broadcast %sub3A : i32 to vector<16xi32>
        %sub3A_300 = arith.subi %sub3A_299, %add3A_298 : vector<16xi32>
        %max3A = arith.constant 1 : i32
        %max3A_301 = vector.broadcast %max3A : i32 to vector<16xi32>
        %max3A_302 = arith.maxsi %sub3A_300, %max3A_301 : vector<16xi32>
        %convert_element_type3A = arith.sitofp %max3A_302 : vector<16xi32> to vector<16xf32>
        %div3A = arith.constant 1.000000e+00 : f32
        %div3A_303 = vector.broadcast %div3A : f32 to vector<16xf32>
        %div3A_304 = arith.divf %div3A_303, %convert_element_type3A : vector<16xf32>
        %mul3A_305 = arith.constant 16 : i32
        %mul3A_306 = arith.muli %scan3A_34, %mul3A_305 : i32
        %swap3A = arith.index_cast %mul3A_306 : i32 to index
        %swap3A_307 = tpu.vector_load %arg9[%swap3A] {strides = array<i32>} : memref<64xf32, #tpu.memory_space<vmem>>, vector<16xf32>,
        tpu.vector_store %arg9[%swap3A], %div3A_304 {strides = array<i32>} : memref<64xf32, #tpu.memory_space<vmem>>, vector<16xf32>,
        %convert_element_type3A_308 = arith.sitofp %add3A_298 : vector<16xi32> to vector<16xf32>
        %mul3A_309 = arith.constant 16 : i32
        %mul3A_310 = arith.muli %scan3A_34, %mul3A_309 : i32
        %swap3A_311 = arith.index_cast %mul3A_310 : i32 to index
        %swap3A_312 = tpu.vector_load %arg10[%swap3A_311] {strides = array<i32>} : memref<64xf32, #tpu.memory_space<vmem>>, vector<16xf32>,
        tpu.vector_store %arg10[%swap3A_311], %convert_element_type3A_308 {strides = array<i32>} : memref<64xf32, #tpu.memory_space<vmem>>, vector<16xf32>,
      }
      %scan3A_28 = arith.constant 4 : i32
      %scan3A_29 = arith.constant 0 : i32
      %scan3A_30 = arith.constant 64 : i32
      %scan3A_31 = arith.addi %scan3A_29, %scan3A_30 : i32
      %scan3A_32 = arith.constant 1 : i32
      scf.for %scan3A_34 = %scan3A_29 to %scan3A_31 step %scan3A_32  : i32 {
        %mul3A_35 = arith.constant 20 : i32
        %mul3A_36 = arith.muli %scan3A_34, %mul3A_35 : i32
        %add3A_37 = arith.constant 0 : i32
        %add3A_38 = arith.addi %mul3A_36, %add3A_37 : i32
        %get3A_39 = arith.index_cast %add3A_38 : i32 to index
        %get3A_40 = arith.constant 0 : index
        %get3A_41 = tpu.vector_load %arg6[%get3A_39, %get3A_40] {strides = array<i32>} : memref<1280x32xf32, #tpu.memory_space<vmem>>, vector<16xf32>,
        %add3A_42 = arith.constant 1 : i32
        %add3A_43 = arith.addi %mul3A_36, %add3A_42 : i32
        %get3A_44 = arith.index_cast %add3A_43 : i32 to index
        %get3A_45 = arith.constant 0 : index
        %get3A_46 = tpu.vector_load %arg6[%get3A_44, %get3A_45] {strides = array<i32>} : memref<1280x32xf32, #tpu.memory_space<vmem>>, vector<16xf32>,
        %add3A_47 = arith.constant 2 : i32
        %add3A_48 = arith.addi %mul3A_36, %add3A_47 : i32
        %get3A_49 = arith.index_cast %add3A_48 : i32 to index
        %get3A_50 = arith.constant 0 : index
        %get3A_51 = tpu.vector_load %arg6[%get3A_49, %get3A_50] {strides = array<i32>} : memref<1280x32xf32, #tpu.memory_space<vmem>>, vector<16xf32>,
        %add3A_52 = arith.constant 3 : i32
        %add3A_53 = arith.addi %mul3A_36, %add3A_52 : i32
        %get3A_54 = arith.index_cast %add3A_53 : i32 to index
        %get3A_55 = arith.constant 0 : index
        %get3A_56 = tpu.vector_load %arg6[%get3A_54, %get3A_55] {strides = array<i32>} : memref<1280x32xf32, #tpu.memory_space<vmem>>, vector<16xf32>,
        %add3A_57 = arith.constant 4 : i32
        %add3A_58 = arith.addi %mul3A_36, %add3A_57 : i32
        %get3A_59 = arith.index_cast %add3A_58 : i32 to index
        %get3A_60 = arith.constant 0 : index
        %get3A_61 = tpu.vector_load %arg6[%get3A_59, %get3A_60] {strides = array<i32>} : memref<1280x32xf32, #tpu.memory_space<vmem>>, vector<16xf32>,
        %add3A_62 = arith.constant 5 : i32
        %add3A_63 = arith.addi %mul3A_36, %add3A_62 : i32
        %get3A_64 = arith.index_cast %add3A_63 : i32 to index
        %get3A_65 = arith.constant 0 : index
        %get3A_66 = tpu.vector_load %arg6[%get3A_64, %get3A_65] {strides = array<i32>} : memref<1280x32xf32, #tpu.memory_space<vmem>>, vector<16xf32>,
        %add3A_67 = arith.constant 6 : i32
        %add3A_68 = arith.addi %mul3A_36, %add3A_67 : i32
        %get3A_69 = arith.index_cast %add3A_68 : i32 to index
        %get3A_70 = arith.constant 0 : index
        %get3A_71 = tpu.vector_load %arg6[%get3A_69, %get3A_70] {strides = array<i32>} : memref<1280x32xf32, #tpu.memory_space<vmem>>, vector<16xf32>,
        %add3A_72 = arith.constant 7 : i32
        %add3A_73 = arith.addi %mul3A_36, %add3A_72 : i32
        %get3A_74 = arith.index_cast %add3A_73 : i32 to index
        %get3A_75 = arith.constant 0 : index
        %get3A_76 = tpu.vector_load %arg6[%get3A_74, %get3A_75] {strides = array<i32>} : memref<1280x32xf32, #tpu.memory_space<vmem>>, vector<16xf32>,
        %add3A_77 = arith.constant 8 : i32
        %add3A_78 = arith.addi %mul3A_36, %add3A_77 : i32
        %get3A_79 = arith.index_cast %add3A_78 : i32 to index
        %get3A_80 = arith.constant 0 : index
        %get3A_81 = tpu.vector_load %arg6[%get3A_79, %get3A_80] {strides = array<i32>} : memref<1280x32xf32, #tpu.memory_space<vmem>>, vector<16xf32>,
        %add3A_82 = arith.constant 9 : i32
        %add3A_83 = arith.addi %mul3A_36, %add3A_82 : i32
        %get3A_84 = arith.index_cast %add3A_83 : i32 to index
        %get3A_85 = arith.constant 0 : index
        %get3A_86 = tpu.vector_load %arg6[%get3A_84, %get3A_85] {strides = array<i32>} : memref<1280x32xf32, #tpu.memory_space<vmem>>, vector<16xf32>,
        %add3A_87 = arith.constant 10 : i32
        %add3A_88 = arith.addi %mul3A_36, %add3A_87 : i32
        %get3A_89 = arith.index_cast %add3A_88 : i32 to index
        %get3A_90 = arith.constant 0 : index
        %get3A_91 = tpu.vector_load %arg6[%get3A_89, %get3A_90] {strides = array<i32>} : memref<1280x32xf32, #tpu.memory_space<vmem>>, vector<16xf32>,
        %add3A_92 = arith.constant 11 : i32
        %add3A_93 = arith.addi %mul3A_36, %add3A_92 : i32
        %get3A_94 = arith.index_cast %add3A_93 : i32 to index
        %get3A_95 = arith.constant 0 : index
        %get3A_96 = tpu.vector_load %arg6[%get3A_94, %get3A_95] {strides = array<i32>} : memref<1280x32xf32, #tpu.memory_space<vmem>>, vector<16xf32>,
        %add3A_97 = arith.constant 12 : i32
        %add3A_98 = arith.addi %mul3A_36, %add3A_97 : i32
        %get3A_99 = arith.index_cast %add3A_98 : i32 to index
        %get3A_100 = arith.constant 0 : index
        %get3A_101 = tpu.vector_load %arg6[%get3A_99, %get3A_100] {strides = array<i32>} : memref<1280x32xf32, #tpu.memory_space<vmem>>, vector<16xf32>,
        %add3A_102 = arith.constant 13 : i32
        %add3A_103 = arith.addi %mul3A_36, %add3A_102 : i32
        %get3A_104 = arith.index_cast %add3A_103 : i32 to index
        %get3A_105 = arith.constant 0 : index
        %get3A_106 = tpu.vector_load %arg6[%get3A_104, %get3A_105] {strides = array<i32>} : memref<1280x32xf32, #tpu.memory_space<vmem>>, vector<16xf32>,
        %add3A_107 = arith.constant 14 : i32
        %add3A_108 = arith.addi %mul3A_36, %add3A_107 : i32
        %get3A_109 = arith.index_cast %add3A_108 : i32 to index
        %get3A_110 = arith.constant 0 : index
        %get3A_111 = tpu.vector_load %arg6[%get3A_109, %get3A_110] {strides = array<i32>} : memref<1280x32xf32, #tpu.memory_space<vmem>>, vector<16xf32>,
        %add3A_112 = arith.constant 15 : i32
        %add3A_113 = arith.addi %mul3A_36, %add3A_112 : i32
        %get3A_114 = arith.index_cast %add3A_113 : i32 to index
        %get3A_115 = arith.constant 0 : index
        %get3A_116 = tpu.vector_load %arg6[%get3A_114, %get3A_115] {strides = array<i32>} : memref<1280x32xf32, #tpu.memory_space<vmem>>, vector<16xf32>,
        %add3A_117 = arith.constant 16 : i32
        %add3A_118 = arith.addi %mul3A_36, %add3A_117 : i32
        %get3A_119 = arith.index_cast %add3A_118 : i32 to index
        %get3A_120 = arith.constant 0 : index
        %get3A_121 = tpu.vector_load %arg6[%get3A_119, %get3A_120] {strides = array<i32>} : memref<1280x32xf32, #tpu.memory_space<vmem>>, vector<16xf32>,
        %add3A_122 = arith.constant 17 : i32
        %add3A_123 = arith.addi %mul3A_36, %add3A_122 : i32
        %get3A_124 = arith.index_cast %add3A_123 : i32 to index
        %get3A_125 = arith.constant 0 : index
        %get3A_126 = tpu.vector_load %arg6[%get3A_124, %get3A_125] {strides = array<i32>} : memref<1280x32xf32, #tpu.memory_space<vmem>>, vector<16xf32>,
        %add3A_127 = arith.constant 18 : i32
        %add3A_128 = arith.addi %mul3A_36, %add3A_127 : i32
        %get3A_129 = arith.index_cast %add3A_128 : i32 to index
        %get3A_130 = arith.constant 0 : index
        %get3A_131 = tpu.vector_load %arg6[%get3A_129, %get3A_130] {strides = array<i32>} : memref<1280x32xf32, #tpu.memory_space<vmem>>, vector<16xf32>,
        %add3A_132 = arith.constant 19 : i32
        %add3A_133 = arith.addi %mul3A_36, %add3A_132 : i32
        %get3A_134 = arith.index_cast %add3A_133 : i32 to index
        %get3A_135 = arith.constant 0 : index
        %get3A_136 = tpu.vector_load %arg6[%get3A_134, %get3A_135] {strides = array<i32>} : memref<1280x32xf32, #tpu.memory_space<vmem>>, vector<16xf32>,
        %add3A_137 = arith.constant 0 : i32
        %add3A_138 = arith.addi %mul3A_36, %add3A_137 : i32
        %get3A_139 = arith.index_cast %add3A_138 : i32 to index
        %get3A_140 = arith.constant 16 : index
        %get3A_141 = tpu.vector_load %arg6[%get3A_139, %get3A_140] {strides = array<i32>} : memref<1280x32xf32, #tpu.memory_space<vmem>>, vector<16xf32>,
        %add3A_142 = arith.constant 1 : i32
        %add3A_143 = arith.addi %mul3A_36, %add3A_142 : i32
        %get3A_144 = arith.index_cast %add3A_143 : i32 to index
        %get3A_145 = arith.constant 16 : index
        %get3A_146 = tpu.vector_load %arg6[%get3A_144, %get3A_145] {strides = array<i32>} : memref<1280x32xf32, #tpu.memory_space<vmem>>, vector<16xf32>,
        %add3A_147 = arith.constant 2 : i32
        %add3A_148 = arith.addi %mul3A_36, %add3A_147 : i32
        %get3A_149 = arith.index_cast %add3A_148 : i32 to index
        %get3A_150 = arith.constant 16 : index
        %get3A_151 = tpu.vector_load %arg6[%get3A_149, %get3A_150] {strides = array<i32>} : memref<1280x32xf32, #tpu.memory_space<vmem>>, vector<16xf32>,
        %add3A_152 = arith.constant 3 : i32
        %add3A_153 = arith.addi %mul3A_36, %add3A_152 : i32
        %get3A_154 = arith.index_cast %add3A_153 : i32 to index
        %get3A_155 = arith.constant 16 : index
        %get3A_156 = tpu.vector_load %arg6[%get3A_154, %get3A_155] {strides = array<i32>} : memref<1280x32xf32, #tpu.memory_space<vmem>>, vector<16xf32>,
        %add3A_157 = arith.constant 4 : i32
        %add3A_158 = arith.addi %mul3A_36, %add3A_157 : i32
        %get3A_159 = arith.index_cast %add3A_158 : i32 to index
        %get3A_160 = arith.constant 16 : index
        %get3A_161 = tpu.vector_load %arg6[%get3A_159, %get3A_160] {strides = array<i32>} : memref<1280x32xf32, #tpu.memory_space<vmem>>, vector<16xf32>,
        %add3A_162 = arith.constant 5 : i32
        %add3A_163 = arith.addi %mul3A_36, %add3A_162 : i32
        %get3A_164 = arith.index_cast %add3A_163 : i32 to index
        %get3A_165 = arith.constant 16 : index
        %get3A_166 = tpu.vector_load %arg6[%get3A_164, %get3A_165] {strides = array<i32>} : memref<1280x32xf32, #tpu.memory_space<vmem>>, vector<16xf32>,
        %add3A_167 = arith.constant 6 : i32
        %add3A_168 = arith.addi %mul3A_36, %add3A_167 : i32
        %get3A_169 = arith.index_cast %add3A_168 : i32 to index
        %get3A_170 = arith.constant 16 : index
        %get3A_171 = tpu.vector_load %arg6[%get3A_169, %get3A_170] {strides = array<i32>} : memref<1280x32xf32, #tpu.memory_space<vmem>>, vector<16xf32>,
        %add3A_172 = arith.constant 7 : i32
        %add3A_173 = arith.addi %mul3A_36, %add3A_172 : i32
        %get3A_174 = arith.index_cast %add3A_173 : i32 to index
        %get3A_175 = arith.constant 16 : index
        %get3A_176 = tpu.vector_load %arg6[%get3A_174, %get3A_175] {strides = array<i32>} : memref<1280x32xf32, #tpu.memory_space<vmem>>, vector<16xf32>,
        %add3A_177 = arith.constant 8 : i32
        %add3A_178 = arith.addi %mul3A_36, %add3A_177 : i32
        %get3A_179 = arith.index_cast %add3A_178 : i32 to index
        %get3A_180 = arith.constant 16 : index
        %get3A_181 = tpu.vector_load %arg6[%get3A_179, %get3A_180] {strides = array<i32>} : memref<1280x32xf32, #tpu.memory_space<vmem>>, vector<16xf32>,
        %add3A_182 = arith.constant 9 : i32
        %add3A_183 = arith.addi %mul3A_36, %add3A_182 : i32
        %get3A_184 = arith.index_cast %add3A_183 : i32 to index
        %get3A_185 = arith.constant 16 : index
        %get3A_186 = tpu.vector_load %arg6[%get3A_184, %get3A_185] {strides = array<i32>} : memref<1280x32xf32, #tpu.memory_space<vmem>>, vector<16xf32>,
        %add3A_187 = arith.constant 10 : i32
        %add3A_188 = arith.addi %mul3A_36, %add3A_187 : i32
        %get3A_189 = arith.index_cast %add3A_188 : i32 to index
        %get3A_190 = arith.constant 16 : index
        %get3A_191 = tpu.vector_load %arg6[%get3A_189, %get3A_190] {strides = array<i32>} : memref<1280x32xf32, #tpu.memory_space<vmem>>, vector<16xf32>,
        %add3A_192 = arith.constant 11 : i32
        %add3A_193 = arith.addi %mul3A_36, %add3A_192 : i32
        %get3A_194 = arith.index_cast %add3A_193 : i32 to index
        %get3A_195 = arith.constant 16 : index
        %get3A_196 = tpu.vector_load %arg6[%get3A_194, %get3A_195] {strides = array<i32>} : memref<1280x32xf32, #tpu.memory_space<vmem>>, vector<16xf32>,
        %add3A_197 = arith.constant 12 : i32
        %add3A_198 = arith.addi %mul3A_36, %add3A_197 : i32
        %get3A_199 = arith.index_cast %add3A_198 : i32 to index
        %get3A_200 = arith.constant 16 : index
        %get3A_201 = tpu.vector_load %arg6[%get3A_199, %get3A_200] {strides = array<i32>} : memref<1280x32xf32, #tpu.memory_space<vmem>>, vector<16xf32>,
        %add3A_202 = arith.constant 13 : i32
        %add3A_203 = arith.addi %mul3A_36, %add3A_202 : i32
        %get3A_204 = arith.index_cast %add3A_203 : i32 to index
        %get3A_205 = arith.constant 16 : index
        %get3A_206 = tpu.vector_load %arg6[%get3A_204, %get3A_205] {strides = array<i32>} : memref<1280x32xf32, #tpu.memory_space<vmem>>, vector<16xf32>,
        %add3A_207 = arith.constant 14 : i32
        %add3A_208 = arith.addi %mul3A_36, %add3A_207 : i32
        %get3A_209 = arith.index_cast %add3A_208 : i32 to index
        %get3A_210 = arith.constant 16 : index
        %get3A_211 = tpu.vector_load %arg6[%get3A_209, %get3A_210] {strides = array<i32>} : memref<1280x32xf32, #tpu.memory_space<vmem>>, vector<16xf32>,
        %add3A_212 = arith.constant 15 : i32
        %add3A_213 = arith.addi %mul3A_36, %add3A_212 : i32
        %get3A_214 = arith.index_cast %add3A_213 : i32 to index
        %get3A_215 = arith.constant 16 : index
        %get3A_216 = tpu.vector_load %arg6[%get3A_214, %get3A_215] {strides = array<i32>} : memref<1280x32xf32, #tpu.memory_space<vmem>>, vector<16xf32>,
        %add3A_217 = arith.constant 16 : i32
        %add3A_218 = arith.addi %mul3A_36, %add3A_217 : i32
        %get3A_219 = arith.index_cast %add3A_218 : i32 to index
        %get3A_220 = arith.constant 16 : index
        %get3A_221 = tpu.vector_load %arg6[%get3A_219, %get3A_220] {strides = array<i32>} : memref<1280x32xf32, #tpu.memory_space<vmem>>, vector<16xf32>,
        %add3A_222 = arith.constant 17 : i32
        %add3A_223 = arith.addi %mul3A_36, %add3A_222 : i32
        %get3A_224 = arith.index_cast %add3A_223 : i32 to index
        %get3A_225 = arith.constant 16 : index
        %get3A_226 = tpu.vector_load %arg6[%get3A_224, %get3A_225] {strides = array<i32>} : memref<1280x32xf32, #tpu.memory_space<vmem>>, vector<16xf32>,
        %add3A_227 = arith.constant 18 : i32
        %add3A_228 = arith.addi %mul3A_36, %add3A_227 : i32
        %get3A_229 = arith.index_cast %add3A_228 : i32 to index
        %get3A_230 = arith.constant 16 : index
        %get3A_231 = tpu.vector_load %arg6[%get3A_229, %get3A_230] {strides = array<i32>} : memref<1280x32xf32, #tpu.memory_space<vmem>>, vector<16xf32>,
        %add3A_232 = arith.constant 19 : i32
        %add3A_233 = arith.addi %mul3A_36, %add3A_232 : i32
        %get3A_234 = arith.index_cast %add3A_233 : i32 to index
        %get3A_235 = arith.constant 16 : index
        %get3A_236 = tpu.vector_load %arg6[%get3A_234, %get3A_235] {strides = array<i32>} : memref<1280x32xf32, #tpu.memory_space<vmem>>, vector<16xf32>,
        %add3A_237 = arith.addf %get3A_41, %get3A_46 : vector<16xf32>
        %add3A_238 = arith.addf %get3A_51, %get3A_56 : vector<16xf32>
        %add3A_239 = arith.addf %get3A_61, %get3A_66 : vector<16xf32>
        %add3A_240 = arith.addf %get3A_71, %get3A_76 : vector<16xf32>
        %add3A_241 = arith.addf %get3A_81, %get3A_86 : vector<16xf32>
        %add3A_242 = arith.addf %get3A_91, %get3A_96 : vector<16xf32>
        %add3A_243 = arith.addf %get3A_101, %get3A_106 : vector<16xf32>
        %add3A_244 = arith.addf %get3A_111, %get3A_116 : vector<16xf32>
        %add3A_245 = arith.addf %get3A_121, %get3A_126 : vector<16xf32>
        %add3A_246 = arith.addf %get3A_131, %get3A_136 : vector<16xf32>
        %add3A_247 = arith.addf %add3A_237, %add3A_238 : vector<16xf32>
        %add3A_248 = arith.addf %add3A_239, %add3A_240 : vector<16xf32>
        %add3A_249 = arith.addf %add3A_241, %add3A_242 : vector<16xf32>
        %add3A_250 = arith.addf %add3A_243, %add3A_244 : vector<16xf32>
        %add3A_251 = arith.addf %add3A_245, %add3A_246 : vector<16xf32>
        %add3A_252 = arith.addf %add3A_247, %add3A_248 : vector<16xf32>
        %add3A_253 = arith.addf %add3A_249, %add3A_250 : vector<16xf32>
        %add3A_254 = arith.addf %add3A_252, %add3A_253 : vector<16xf32>
        %add3A_255 = arith.addf %add3A_254, %add3A_251 : vector<16xf32>
        %add3A_256 = arith.addf %get3A_141, %get3A_146 : vector<16xf32>
        %add3A_257 = arith.addf %get3A_151, %get3A_156 : vector<16xf32>
        %add3A_258 = arith.addf %get3A_161, %get3A_166 : vector<16xf32>
        %add3A_259 = arith.addf %get3A_171, %get3A_176 : vector<16xf32>
        %add3A_260 = arith.addf %get3A_181, %get3A_186 : vector<16xf32>
        %add3A_261 = arith.addf %get3A_191, %get3A_196 : vector<16xf32>
        %add3A_262 = arith.addf %get3A_201, %get3A_206 : vector<16xf32>
        %add3A_263 = arith.addf %get3A_211, %get3A_216 : vector<16xf32>
        %add3A_264 = arith.addf %get3A_221, %get3A_226 : vector<16xf32>
        %add3A_265 = arith.addf %get3A_231, %get3A_236 : vector<16xf32>
        %add3A_266 = arith.addf %add3A_256, %add3A_257 : vector<16xf32>
        %add3A_267 = arith.addf %add3A_258, %add3A_259 : vector<16xf32>
        %add3A_268 = arith.addf %add3A_260, %add3A_261 : vector<16xf32>
        %add3A_269 = arith.addf %add3A_262, %add3A_263 : vector<16xf32>
        %add3A_270 = arith.addf %add3A_264, %add3A_265 : vector<16xf32>
        %add3A_271 = arith.addf %add3A_266, %add3A_267 : vector<16xf32>
        %add3A_272 = arith.addf %add3A_268, %add3A_269 : vector<16xf32>
        %add3A_273 = arith.addf %add3A_271, %add3A_272 : vector<16xf32>
        %add3A_274 = arith.addf %add3A_273, %add3A_270 : vector<16xf32>
        %broadcast_in_dim3A = vector.broadcast %scan3A_34 : i32 to vector<16xi32>
        %gather3A = tpu.vector_load_idx %arg9[%broadcast_in_dim3A] : memref<64xf32, #tpu.memory_space<vmem>>[vector<16xi32>], vector<16xf32>,
        %gather3A_275 = tpu.vector_load_idx %arg10[%broadcast_in_dim3A] : memref<64xf32, #tpu.memory_space<vmem>>[vector<16xi32>], vector<16xf32>,
        %mul3A_276 = arith.mulf %gather3A_275, %get3A_3 : vector<16xf32>
        %sub3A = arith.subf %add3A_255, %mul3A_276 : vector<16xf32>
        %mul3A_277 = arith.mulf %sub3A, %gather3A : vector<16xf32>
        %swap3A = arith.index_cast %scan3A_34 : i32 to index
        %swap3A_278 = arith.constant 0 : index
        %swap3A_279 = tpu.vector_load %arg7[%swap3A, %swap3A_278] {strides = array<i32>} : memref<64x32xf32, #tpu.memory_space<vmem>>, vector<16xf32>,
        tpu.vector_store %arg7[%swap3A, %swap3A_278], %mul3A_277 {strides = array<i32>} : memref<64x32xf32, #tpu.memory_space<vmem>>, vector<16xf32>,
        %mul3A_280 = arith.mulf %gather3A_275, %get3A_7 : vector<16xf32>
        %sub3A_281 = arith.subf %add3A_274, %mul3A_280 : vector<16xf32>
        %mul3A_282 = arith.mulf %sub3A_281, %gather3A : vector<16xf32>
        %swap3A_283 = arith.index_cast %scan3A_34 : i32 to index
        %swap3A_284 = arith.constant 16 : index
        %swap3A_285 = tpu.vector_load %arg7[%swap3A_283, %swap3A_284] {strides = array<i32>} : memref<64x32xf32, #tpu.memory_space<vmem>>, vector<16xf32>,
        tpu.vector_store %arg7[%swap3A_283, %swap3A_284], %mul3A_282 {strides = array<i32>} : memref<64x32xf32, #tpu.memory_space<vmem>>, vector<16xf32>,
      }
      %scan3A_33 = arith.constant 64 : i32
      "tpu.region"() ({
        %run_scoped3A = tpu.sem_alloc : memref<!tpu.dma_semaphore, #tpu.memory_space<semaphore_mem>>
        %dma_start3A_34 = arith.constant 0 : i32
        %dma_start3A_35 = tpu.memref_slice %arg4[%add3A_17, %dma_start3A_34] : memref<51200x32xf32, #tpu.memory_space<hbm>> -> memref<64x32xf32, #tpu.memory_space<hbm>>
        %dma_start3A_36 = arith.constant 0 : i32
        %dma_start3A_37 = tpu.memref_slice %arg4[%add3A_17, %dma_start3A_36] : memref<51200x32xf32, #tpu.memory_space<hbm>> -> memref<64x32xf32, #tpu.memory_space<hbm>>
        tpu.enqueue_dma source(%arg7 : memref<64x32xf32, #tpu.memory_space<vmem>>) target(%dma_start3A_37 : memref<64x32xf32, #tpu.memory_space<hbm>>) target_semaphore(%run_scoped3A : memref<!tpu.dma_semaphore, #tpu.memory_space<semaphore_mem>>)
        %dma_wait3A_38 = arith.constant 0 : i32
        %dma_wait3A_39 = tpu.memref_slice %arg4[%add3A_17, %dma_wait3A_38] : memref<51200x32xf32, #tpu.memory_space<hbm>> -> memref<64x32xf32, #tpu.memory_space<hbm>>
        %dma_wait3A_40 = arith.constant 0 : i32
        %dma_wait3A_41 = tpu.memref_slice %arg4[%add3A_17, %dma_wait3A_40] : memref<51200x32xf32, #tpu.memory_space<hbm>> -> memref<64x32xf32, #tpu.memory_space<hbm>>
        tpu.wait_dma2 semaphore(%run_scoped3A : memref<!tpu.dma_semaphore, #tpu.memory_space<semaphore_mem>>) src(%arg7 : memref<64x32xf32, #tpu.memory_space<vmem>>) dst(%dma_wait3A_41 : memref<64x32xf32, #tpu.memory_space<hbm>>)
        tpu.yield
      }) : () -> ()
    }
    %scan3A_11 = arith.constant 25 : i32
    return
  }
}

</mosaic_0001>

<sc_bundles>
// kernel: _sc_embed.3.cloned.1.call-start
scs
__scs_entry_jumppad:
0x0: {  	(pc) =	sbr.rel $0x88, $3  }
0x1: {  	(tag) =	ssettag $0x0;
	lr =	simm.s32 $0x1  }
0x2: {  	[smem:$0x3F9F] =	sst lr;
	_ =	strace $0xD0000000  }
0x3: {  	_ = 	snop  }
0x4: {  	_ = 	snop  }
0x5: {  	_ = 	snop  }
0x6: {  	_ = 	snop  }
0x7: {  	_ = 	snop  }
__scs_overlays_trampoline_lowered:
0x8: {  	[smem:$0x3FAE] =	sst s0  }
0x9: {  	[smem:$0x3FAF] =	sst s1  }
0xa: {  	[smem:$0x3FB0] =	sst s2  }
0xb: {  	[smem:$0x3FB1] =	sst s3  }
0xc: {  	[smem:$0x3FB2] =	sst s4  }
0xd: {  	[smem:$0x3FB3] =	sst s5  }
0xe: {  	[smem:$0x3FB4] =	sst s6  }
0xf: {  	[smem:$0x3FB5] =	sst s7  }
0x10: {  	[smem:$0x3FB6] =	sst s8  }
0x11: {  	[smem:$0x3FB7] =	sst s9;
	s0 =	simm.s32 @!p0 $0x0  }
0x12: {  	s1 =	sld [smem:$0x3F9D];
	s0 =	simm.s32 @p0 $0x1  }
0x13: {  	[smem:$0x3FB8] =	sst s0;
	s0 =	simm.s32 @!p1 $0x0  }
0x14: {  	s2 =	sld [smem:$0x3F9C];
	s0 =	simm.s32 @p1 $0x1  }
0x15: {  	[smem:$0x3FB9] =	sst s0;
	s0 =	simm.s32 @!p2 $0x0  }
0x16: {  	s3 =	sld [smem:$0x3FDB];
	s0 =	simm.s32 @p2 $0x1  }
0x17: {  	s4 =	simm.s32 $0x1BF5;
	[smem:$0x3FBB] =	sst s0  }
0x18: {  	s0 =	sld [smem:$0x3F9E];
	_ =	swait.ge [sflag:s4], $0x0  }
0x19: {  	s7 =	sld [smem:$0x3F9F]  }
0x1a: {  	s8 =	sadd.s32 $0xFFFFE003, lr  }
0x1b: {  	s9 =	sadd.s32 $0xFFFFFEF7, lr;
	s5 =	simm.s32 $0xFFFFFFFF;
	p2 =	slt.u32 s8, $0xFFFFF086  }
0x1c: {  	p1 =	slt.u32 s9, $0xF7A;
	s5 =	simm.s32 @!p2 $0x0  }
0x1d: {  	s5 =	simm.s32 @p1 $0x1;
	p0 =	seq.s32 s7, s2  }
0x1e: {  	s7 =	smul.u32 @!p0 $0xF7A, s2;
	p2 =	seq.s32 @!p0 s5, $0x0  }
0x1f: {  	s9 =	smul.u32 $0xF7A, s1;
	s8 =	simm.s32 @!p0 $0x1BF5;
	p2 =	por !p2, p0  }
0x20: {  	[sflag:s8] =	ssyncset.s32 @!p0 $0xFFFFF086;
	s6 =	sadd.s32 @!p0 s3, s7;
	s7 =	simm.s32 @!p0 $0x108  }
0x21: {  	s3 =	sadd.s32 s3, s9;
	s6 =	sadd.s32 @!p0 $0x88, s6;
	s7 =	simm.s32 @p2 $0x1082  }
0x22: {  	[simem:s7], [sflag:s8] =	dma.local @!p0 [hbm:s6], $0xF7A  }
0x23: {  	s9 =	sor.u32 $0xD0000000, s2;
	s6 =	simm.s32 $0x108;
	_ =	swait.ge @!p0 [sflag:s8], $0x0  }
0x24: {  	s3 =	sadd.s32 $0x88, s3;
	s6 =	simm.s32 @!p1 $0x1082;
	[sflag:s4] =	ssyncset.s32 $0xFFFFF086  }
0x25: {  	[simem:s6], [sflag:s4] =	dma.local [hbm:s3], $0xF7A  }
0x26: {  	[smem:$0x3F9F] =	sst s1;
	(tag) =	ssettag s2;
	_ =	strace s9  }
0x27: {  	s1 =	sld [smem:$0x3FAF]  }
0x28: {  	s2 =	sld [smem:$0x3FB0]  }
0x29: {  	s4 =	sld [smem:$0x3FB2]  }
0x2a: {  	p0 =	seq.s32 s5, $0x0;
	s5 =	sld [smem:$0x3FB3]  }
0x2b: {  	s6 =	sld [smem:$0x3FB4]  }
0x2c: {  	s7 =	sld [smem:$0x3FB5]  }
0x2d: {  	s3 =	simm.s32 $0x108;
	s8 =	sld [smem:$0x3FB6]  }
0x2e: {  	s3 =	simm.s32 @!p0 $0x1082;
	s9 =	sld [smem:$0x3FB7]  }
0x2f: {  	lr =	sadd.s32 s0, s3;
	s0 =	sld [smem:$0x3FAE]  }
0x30: {  	s3 =	sld [smem:$0x3FB1]  }
0x31: {  	[smem:$0x3FBA] =	sst s10  }
0x32: {  	s10 =	sld [smem:$0x3FB8];
	_ =	sdelay $0x3  }
0x33: {  	p0 =	seq.s32 s10, $0x1;
	s10 =	sld [smem:$0x3FBA];
	_ =	sdelay $0x3  }
0x34: {  	[smem:$0x3FBA] =	sst s10  }
0x35: {  	s10 =	sld [smem:$0x3FB9];
	_ =	sdelay $0x3  }
0x36: {  	p1 =	seq.s32 s10, $0x1;
	s10 =	sld [smem:$0x3FBA];
	_ =	sdelay $0x3  }
0x37: {  	[smem:$0x3FBA] =	sst s10  }
0x38: {  	s10 =	sld [smem:$0x3FBB]  }
0x39: {  	_ = 	snop;
	(pc) =	sbr.ind lr, $3  }
0x3a: {  	_ = 	snop  }
0x3b: {  	_ = 	snop  }
0x3c: {  	p2 =	seq.s32 s10, $0x1;
	s10 =	sld [smem:$0x3FBA]  }
0x3d: {  	_ =	shalt  }
0x3e: {  	_ =	shalt  }
0x3f: {  	_ =	shalt  }
0x40: {  	_ =	shalt  }
0x41: {  	_ =	shalt  }
0x42: {  	_ =	shalt  }
0x43: {  	_ =	shalt  }
0x44: {  	_ =	shalt  }
0x45: {  	_ =	shalt  }
0x46: {  	_ =	shalt  }
0x47: {  	_ =	shalt  }
0x48: {  	_ =	shalt  }
0x49: {  	_ =	shalt  }
0x4a: {  	_ =	shalt  }
0x4b: {  	_ =	shalt  }
0x4c: {  	_ =	shalt  }
0x4d: {  	_ =	shalt  }
0x4e: {  	_ =	shalt  }
0x4f: {  	_ =	shalt  }
0x50: {  	_ =	shalt  }
0x51: {  	_ =	shalt  }
0x52: {  	_ =	shalt  }
0x53: {  	_ =	shalt  }
0x54: {  	_ =	shalt  }
0x55: {  	_ =	shalt  }
0x56: {  	_ =	shalt  }
0x57: {  	_ =	shalt  }
0x58: {  	_ =	shalt  }
0x59: {  	_ =	shalt  }
0x5a: {  	_ =	shalt  }
0x5b: {  	_ =	shalt  }
0x5c: {  	_ =	shalt  }
0x5d: {  	_ =	shalt  }
0x5e: {  	_ =	shalt  }
0x5f: {  	_ =	shalt  }
0x60: {  	_ =	shalt  }
0x61: {  	_ =	shalt  }
0x62: {  	_ =	shalt  }
0x63: {  	_ =	shalt  }
0x64: {  	_ =	shalt  }
0x65: {  	_ =	shalt  }
0x66: {  	_ =	shalt  }
0x67: {  	_ =	shalt  }
0x68: {  	_ =	shalt  }
0x69: {  	_ =	shalt  }
0x6a: {  	_ =	shalt  }
0x6b: {  	_ =	shalt  }
0x6c: {  	_ =	shalt  }
0x6d: {  	_ =	shalt  }
0x6e: {  	_ =	shalt  }
0x6f: {  	_ =	shalt  }
0x70: {  	_ =	shalt  }
0x71: {  	_ =	shalt  }
0x72: {  	_ =	shalt  }
0x73: {  	_ =	shalt  }
0x74: {  	_ =	shalt  }
0x75: {  	_ =	shalt  }
0x76: {  	_ =	shalt  }
0x77: {  	_ =	shalt  }
0x78: {  	_ =	shalt  }
0x79: {  	_ =	shalt  }
0x7a: {  	_ =	shalt  }
0x7b: {  	_ =	shalt  }
0x7c: {  	_ =	shalt  }
0x7d: {  	_ =	shalt  }
0x7e: {  	_ =	shalt  }
0x7f: {  	_ =	shalt  }
0x80: {  	_ =	shalt  }
0x81: {  	_ =	shalt  }
0x82: {  	_ =	shalt  }
0x83: {  	_ =	shalt  }
0x84: {  	_ =	shalt  }
0x85: {  	_ =	shalt  }
0x86: {  	_ =	shalt  }
0x87: {  	_ =	shalt  }
.Lfunc_end0:
.L_simem_size_0:
called_computation_lowered:
.L_overlay_start_0:
0x88: {  	s2 =	sld [smem:$0x3FD9]  }
0x89: {  	s3 =	sld [smem:$0x3FFE];
	_ =	sdelay $0x1  }
0x8a: {  	s1 =	srdreg.scid  }
0x8b: {  	s0 =	sand.u32 $0x1, s1  }
0x8c: {  	s17 =	sshll.u32 s0, $0xA;
	s2 =	sadd.s32 s3, s2  }
0x8d: {  	s2 =	sadd.s32 s2, s17  }
0x8e: {  	[smem:$0x3FC6] =	sst s2  }
0x8f: {  	_ = 	snop  }
0x90: {  	s2 =	sld [smem:$0x3FC9]  }
0x91: {  	s18 =	sld [smem:$0x3FD0];
	(tm) =	ssettm $0x1  }
0x92: {  	s4 =	sld [smem:$0x3FFB];
	_ =	sdelay $0x3  }
0x93: {  	_ =	strace s4  }
0x94: {  	s4 =	sld [smem:$0x3FFC];
	_ =	sdelay $0x3  }
0x95: {  	_ =	strace s4  }
0x96: {  	s4 =	sld [smem:$0x3FFD];
	_ =	sdelay $0x3  }
0x97: {  	_ =	strace s4  }
0x98: {  	_ =	strace $0x8FFFFFFF  }
0x99: {  	s19 =	sld [smem:$0x3FDB];
	_ =	sdelay $0x1  }
0x9a: {  	s5 =	simm.s32 $_scs_section_size  }
0x9b: {  	s6 =	simm.s32 $_size__tile_overlayer_lowered;
	s7 =	simm.s32 $_tile_overlayer_lowered  }
0x9c: {  	s22 =	simm.s32 $0x1BFF;
	s21 =	sshll.u32 s7, $0x1;
	s4 =	sadd.s32 s5, s19  }
0x9d: {  	s8 =	simm.s32 $0x0;
	s20 =	sshll.u32 s6, $0x1;
	s6 =	sadd.s32 s21, s4  }
0x9e: {  	[timem:s8], [sflag:s22] =	dma.local [hbm:s6], s20  }
0x9f: {  	_ =	swait.ge [sflag:s22], s20  }
0xa0: {  	s5 =	ssub.s32 $0x0, s20;
	[sflag:s22] =	ssyncset.done $0x0  }
0xa1: {  	[sflag:s22] =	ssyncadd.s32 s5;
	_ =	sdelay $0x1  }
0xa2: {  	s23 =	simm.s32 $0x1B8B  }
0xa3: {  	_ =	swait.ge [sflag:s23], $0x1  }
0xa4: {  	[sflag:s23] =	ssyncset.done $0x0  }
0xa5: {  	s25 =	simm.s32 $0x1B8E;
	s24 =	sld [smem:$0x3FFE];
	[sflag:s23] =	ssyncadd.s32 $0xFFFFFFFF  }
0xa6: {  	s26 =	simm.s32 $execute0_lowered;
	[smem:$0x3FD2] =	sst s25  }
0xa7: {  	s6 =	sshll.u32 s26, $0x1;
	_ =	strace $0x80000046;
	[dreg:$0x1] =	wrdreg $0xFFFFFFFF  }
0xa8: {  	s28 =	simm.s32 $_size_execute0_lowered;
	s4 =	sadd.s32 s4, s6;
	[dreg:$0x0] =	wrdreg $0x0  }
0xa9: {  	s6 =	sshll.u32 s28, $0x1;
	[dreg:$0x2] =	wrdreg s4  }
0xaa: {  	[dreg:$0x3] =	wrdreg s6  }
0xab: {  	[dreg:$0x4] =	wrdreg $0xC0  }
0xac: {  	_ =	task [dreg:s8], $0x5FFFF  }
0xad: {  	[dreg:$0x1] =	wrdreg $0xFFFFFFFF  }
0xae: {  	[dreg:$0x0] =	wrdreg $0x60  }
0xaf: {  	[dreg:$0x2] =	wrdreg s2  }
0xb0: {  	[dreg:$0x3] =	wrdreg s24  }
0xb1: {  	[dreg:$0x4] =	wrdreg s18  }
0xb2: {  	[dreg:$0x5] =	wrdreg $0x9  }
0xb3: {  	_ =	task.clear_ibuf [dreg:s8], $0x6FFFF;
	_ =	strace $0x90000046  }
0xb4: {  	s29 =	simm.s32 $0x9;
	_ =	strace $0x80000048  }
0xb5: {  	_ =	swait.ge [sflag:s29], $0x1  }
0xb6: {  	[sflag:s29] =	ssyncadd.s32 $0xFFFFFFFF  }
0xb7: {  	_ =	strace $0x90000048  }
0xb8: {  	_ =	sfence  }
0xb9: {  	s30 =	sld [smem:$0x0];
	_ =	sdelay $0x2  }
0xba: {  	s31 =	sshll.u32 s1, $0xD;
	s1 =	sshrl.u32 s1, $0x2  }
0xbb: {  	s3 =	sand.u32 $0x4000, s31;
	s1 =	sadd.s32 s1, s30  }
0xbc: {  	s0 =	sor.u32 s3, s0;
	s1 =	sshll.u32 s1, $0x11  }
0xbd: {  	s0 =	sor.u32 s1, s0  }
0xbe: {  	s0 =	sadd.s32 $0x8F2B, s0  }
0xbf: {  	[sflag:s0] =	ssyncadd.remote.s32 $0x1  }
0xc0: {  	_ =	sfence.sel $0xFFFF  }
0xc1: {  	[dreg:$0x0] =	wrdreg $0xFFFFFFFF;
	(pc) =	sbr.abs _section_cstart, $3  }
0xc2: {  	[dreg:$0x1] =	wrdreg $0xFFFFFFFF  }
0xc3: {  	_ =	task.clear_ibuf [dreg:s8], $0x2FFFF;
	_ =	strace $0x9FFFFFFF  }
0xc4: {  	(tm) =	ssettm $0x7FFFFFFF  }
0xc5: {  	_ =	shalt  }
tec
execute0_lowered:
.L_overlay_start_1:
0x0: {  	(tag) =	ssettag $0x1  }
0x1: {  	v0 =	vlaneseq.u32  }
0x2: {  	s0 =	rddreg [dreg:$0x0];
	v5 =	vand.u32 $0x1, v0;
	v59 =	vmul.u32 $0x14, v0  }
0x3: {  	s5 =	rddreg [dreg:$0x1];
	v2 =	vimm.s32 $0x0;
	v1 =	vmul.u32 $0x4, v5  }
0x4: {  	s2 =	rddreg [dreg:$0x2];
	v16 =	vmul.u32 $0xFFFFFFFC, v5;
	v60 =	vor.u32 $0x1, v59;
	v9 =	vor.u32 $0x2, v59  }
0x5: {  	s1 =	rddreg [dreg:$0x3];
	s6 =	srdreg.scid;
	v5 =	vor.u32 $0x3, v59;
	v29 =	vadd.s32 $0x4, v59;
	v62 =	vadd.s32 $0x5, v59  }
0x6: {  	s4 =	simm.s32 $0x0;
	s3 =	stileid.u32;
	s10 =	simm.s32 $0x500;
	v63 =	vadd.s32 $0x6, v59;
	v17 =	vadd.s32 $0x7, v59;
	v19 =	vadd.s32 $0x8, v59  }
0x7: {  	s11 =	simm.s32 $0x1;
	s12 =	simm.s32 $0xAD20;
	s13 =	simm.s32 $0xAD60;
	v11 =	vadd.s32 $0x9, v59;
	v13 =	vadd.s32 $0xA, v59;
	v15 =	vadd.s32 $0xB, v59  }
0x8: {  	s14 =	simm.s32 $0xA500;
	s15 =	simm.s32 $0x0;
	s6 =	sand.u32 $0x1, s6;
	v18 =	vadd.s32 $0xC, v59;
	v20 =	vadd.s32 $0xD, v59;
	v21 =	vadd.s32 $0xE, v59  }
0x9: {  	[smem:$0x7FF] =	sst s4;
	s8 =	sshll.u32 s3, $0x1;
	s7 =	ssub.s32 $0x2, s6;
	v22 =	vadd.s32 $0xF, v59;
	v23 =	vadd.s32 $0x10, v59;
	v24 =	vadd.s32 $0x11, v59  }
0xa: {  	s5 =	sadd.s32 $0x186E00, s5;
	_ =	strace $0x80000047;
	s9 =	sshrl.u32 s7, $0x1;
	v25 =	vadd.s32 $0x12, v59;
	v26 =	vadd.s32 $0x13, v59;
	v4 =	vor.u32 $0x1, v1  }
0xb: {  	s6 =	sor.u32 s6, s8;
	s8 =	simm.s32 $0xAD00;
	v6 =	vor.u32 $0x2, v1;
	v8 =	vor.u32 $0x3, v1;
	v10 =	vadd.s32 $0x4, v16;
	s7 =	ssub.s32 s7, s9  }
0xc: {  	s6 =	smul.u32 $0x640, s6;
	v12 =	vadd.s32 $0x5, v16;
	v14 =	vadd.s32 $0x6, v16;
	v16 =	vadd.s32 $0x7, v16;
	s9 =	simm.s32 $0x2;
	s7 =	smax.u32 s7, $0x1  }
.LBB2_1:
0xd: {  	[tilespmem:s8], [sflag:$0x2] =	stream.linear.gather [hbm4b:s5+s4], $0x20, $0x38;
	[tilespmem:$0xADA0] =	vst v63  }
0xe: {  	_ =	swait.ge [sflag:s9], $0x20  }
0xf: {  	[sflag:s9] =	ssyncset.done $0x0  }
0x10: {  	[sflag:s9] =	ssyncadd.s32 $0xFFFFFFE0  }
0x11: {  	v27 =	vld [tilespmem:$0xAD00]  }
0x12: {  	v28 =	vld [tilespmem:$0xAD10];
	_ =	sdelay $0x3  }
0x13: {  	[tilespmem:$0x1FFE0] =	vst v27  }
0x14: {  	s16 =	simm.s32 $0x0;
	[tilespmem:$0x1FFF0] =	vst v28  }
.LBB2_2:
0x15: {  	s18 =	simm.s32 $0x0  }
0x16: {  	v0 =	vmov s18  }
0x17: {  	v32 =	vmul.u32 $0x14, v0;
	_ =	sdelay $0x1  }
0x18: {  	v32 =	vbroadcast v32, $0x0;
	_ =	sdelay $0x1  }
0x19: {  	v33 =	vadd.s32 v59, v32  }
0x1a: {  	v34 =	vadd.s32 v60, v32;
	v35 =	vadd.s32 v13, v32;
	v54 =	vadd.s32 v11, v32  }
0x1b: {  	v55 =	vadd.s32 v29, v32;
	v39 =	vadd.s32 v5, v32;
	v40 =	vadd.s32 v18, v32  }
0x1c: {  	v41 =	vadd.s32 v62, v32;
	v56 =	vadd.s32 v63, v32;
	v57 =	vadd.s32 v17, v32  }
0x1d: {  	v42 =	vadd.s32 v9, v32;
	v43 =	vadd.s32 v19, v32;
	v61 =	vadd.s32 v15, v32  }
0x1e: {  	v46 =	vadd.s32 v20, v32;
	v52 =	vadd.s32 v21, v32;
	v53 =	vadd.s32 v22, v32  }
0x1f: {  	v33 =	vand.u32 $0xFFFFFFF8, v33;
	v36 =	vand.u32 $0xFFFFFFF8, v34;
	v34 =	vand.u32 $0xFFFFFFF8, v35  }
0x20: {  	v35 =	vand.u32 $0xFFFFFFF8, v54;
	v47 =	vand.u32 $0xFFFFFFF8, v40;
	v39 =	vand.u32 $0xFFFFFFF8, v39  }
0x21: {  	s17 =	sshll.u32 s16, $0x6;
	v42 =	vand.u32 $0xFFFFFFF8, v42;
	v58 =	vand.u32 $0xFFFFFFF8, v41;
	v40 =	vand.u32 $0xFFFFFFF8, v56  }
0x22: {  	s17 =	sadd.s32 s6, s17;
	v45 =	vand.u32 $0xFFFFFFF8, v43;
	v48 =	vand.u32 $0xFFFFFFF8, v61;
	v51 =	vand.u32 $0xFFFFFFF8, v46  }
0x23: {  	s31 =	simm.s32 $0x10;
	s19 =	smul.u32 $0x14, s17;
	v49 =	vand.u32 $0xFFFFFFF8, v52;
	v54 =	vadd.s32 v23, v32;
	v46 =	vand.u32 $0xFFFFFFF8, v53  }
0x24: {  	v56 =	vadd.s32 v25, v32;
	v53 =	vmov s31;
	v33 =	vor.u32 v1, v33  }
0x25: {  	s19 =	sshrl.u32 s19, $0x3;
	v37 =	vor.u32 v4, v36;
	v36 =	vand.u32 $0xFFFFFFF8, v55;
	v50 =	vor.u32 v8, v39  }
0x26: {  	[tilespmem:$0x1FFD0] =	vst v0;
	s19 =	sadd.s32 s0, s19;
	v39 =	vor.u32 v12, v58;
	v40 =	vor.u32 v14, v40;
	v44 =	vor.u32 v6, v42  }
0x27: {  	[tilespmem:s18], [sflag:$0x2] =	stream.linear.gather [hbm4b:s19+s18], $0x500, $0x38;
	v52 =	vand.u32 $0xFFFFFFF8, v54;
	v55 =	vadd.s32 v24, v32;
	v32 =	vadd.s32 v26, v32;
	[tilespmem:$0xADA0] =	vst v63  }
0x28: {  	_ =	swait.ge [sflag:s9], $0x500;
	v42 =	vand.u32 $0xFFFFFFF8, v56;
	v58 =	vmul.u32 $0x14, v53;
	v46 =	vor.u32 v16, v46  }
0x29: {  	[sflag:s9] =	ssyncset.done $0x0;
	v49 =	vor.u32 v14, v49;
	v53 =	vor.u32 v8, v48;
	v51 =	vor.u32 v12, v51  }
0x2a: {  	v38 =	vor.u32 v10, v36;
	v36 =	vand.u32 $0xFFFFFFF8, v57;
	v57 =	vand.u32 $0xFFFFFFF8, v55;
	[sflag:s9] =	ssyncadd.s32 $0xFFFFFB00  }
0x2b: {  	v32 =	vand.u32 $0xFFFFFFF8, v32;
	v42 =	vor.u32 v6, v42;
	v55 =	vor.u32 v1, v45;
	[tilespmem:s10], [sflag:$0x1] =	stream.indirect.gather [hbm4b:s5+s10], $0x20, s18, s10, $0xb8;
	[tilespmem:$0xADA0] =	vst v63  }
0x2c: {  	v45 =	vor.u32 v1, v52;
	v41 =	vor.u32 v8, v32;
	v32 =	vbroadcast v58, $0x0;
	_ =	swait.ge [sflag:s11], $0xA000  }
0x2d: {  	v52 =	vor.u32 v10, v47;
	v36 =	vor.u32 v16, v36;
	v43 =	vor.u32 v4, v57;
	[sflag:s11] =	ssyncset.done $0x0  }
0x2e: {  	s20 =	simm.s32 $0xAD20;
	s25 =	simm.s32 $0x20;
	v61 =	vadd.s32 v59, v32;
	v54 =	vadd.s32 v60, v32;
	v56 =	vadd.s32 v13, v32;
	[sflag:s11] =	ssyncadd.s32 $0xFFFF6000  }
0x2f: {  	s22 =	simm.s32 $0xAD20;
	s21 =	simm.s32 $0xAD60;
	s19 =	simm.s32 $0xAD60;
	v48 =	vand.u32 $0xFFFFFFF8, v61;
	v54 =	vand.u32 $0xFFFFFFF8, v54;
	v47 =	vand.u32 $0xFFFFFFF8, v56;
	v50 =	vld.idx.msk [tilespmem:v50+s18+$0x0], $0xffff  }
.LBB2_3:
0x30: {  	v48 =	vor.u32 v1, v48;
	v54 =	vor.u32 v4, v54  }
0x31: {  	v56 =	vadd.s32 v11, v32;
	v57 =	vadd.s32 v5, v32;
	v58 =	vadd.s32 v29, v32;
	v28 =	vmovc v24  }
0x32: {  	v55 =	vld.idx.msk [tilespmem:v55+s18+$0x0], $0xffff;
	s20 =	sadd.s32 $0x10, s20;
	v24 =	vmovc v20;
	v20 =	vmovc v11;
	v11 =	vmov v5;
	v5 =	vmov v59;
	v7 =	vmov v60  }
0x33: {  	s19 =	sadd.s32 $0x10, s19;
	s24 =	smov.u32 s25;
	s23 =	sadd.s32 $0x10, s25;
	v60 =	vor.u32 v6, v34;
	v30 =	vadd.s32 v62, v32;
	v34 =	vmovc v47;
	v47 =	vadd.s32 v63, v32  }
0x34: {  	p0 =	sne.s32 s25, $0x30;
	v27 =	vmovc v23;
	v23 =	vmovc v18;
	v31 =	vor.u32 v4, v35;
	v59 =	vld.idx.msk [tilespmem:v37+s18+$0x0], $0xffff;
	v0 =	vand.u32 $0xFFFFFFF8, v58;
	v56 =	vand.u32 $0xFFFFFFF8, v56  }
0x35: {  	v58 =	vadd.s32 v18, v32;
	v37 =	vmovc v54;
	v61 =	vld.idx.msk [tilespmem:v33+s18+$0x0], $0xffff;
	v33 =	vmov v48;
	v54 =	vor.u32 v10, v0  }
0x36: {  	v18 =	vmovc v17;
	v48 =	vand.u32 $0xFFFFFFF8, v58;
	v58 =	vadd.s32 v17, v32;
	v0 =	vadd.s32 v9, v32;
	v44 =	vld.idx.msk [tilespmem:v44+s18+$0x0], $0xffff  }
0x37: {  	v17 =	vmovc v63;
	v35 =	vmovc v56;
	v58 =	vand.u32 $0xFFFFFFF8, v58;
	v0 =	vand.u32 $0xFFFFFFF8, v0;
	v63 =	vld.idx.msk [tilespmem:v38+s18+$0x0], $0xffff;
	vm0 =	veq.s32 v50, $0x0  }
0x38: {  	v38 =	vmovc v54;
	v54 =	vor.u32 v16, v58;
	v58 =	vadd.s32 v19, v32;
	v3 =	vld.idx.msk [tilespmem:v39+s18+$0x0], $0xffff;
	v39 =	vand.u32 $0xFFFFFFF8, v57  }
0x39: {  	v56 =	vsel vm0, $0x1, v2;
	v57 =	vld.idx.msk [tilespmem:v60+s18+$0x0], $0xffff;
	v50 =	vor.u32 v8, v39;
	v39 =	vand.u32 $0xFFFFFFF8, v30  }
0x3a: {  	vm0 =	veq.s32 v59, $0x0;
	v59 =	vld.idx.msk [tilespmem:v40+s18+$0x0], $0xffff;
	vm1 =	veq.s32 v61, $0x0;
	v39 =	vor.u32 v12, v39  }
0x3b: {  	v40 =	vand.u32 $0xFFFFFFF8, v47;
	v60 =	vld.idx.msk [tilespmem:v36+s18+$0x0], $0xffff;
	v36 =	vmovc v54;
	v47 =	vsel vm1, $0x1, v2;
	v54 =	vsel vm0, $0x1, v2  }
0x3c: {  	vm0 =	veq.s32 v44, $0x0;
	v40 =	vor.u32 v14, v40;
	v31 =	vld.idx.msk [tilespmem:v31+s18+$0x0], $0xffff;
	vm1 =	veq.s32 v63, $0x0;
	v63 =	vmovc v17  }
0x3d: {  	v17 =	vmovc v18;
	v18 =	vmovc v23;
	v23 =	vmov v27;
	v44 =	vadd.s32 v47, v54;
	v47 =	vsel vm0, $0x1, v2  }
0x3e: {  	vm0 =	veq.s32 v3, $0x0;
	v44 =	vadd.s32 v47, v44;
	v47 =	vsel vm1, $0x1, v2;
	v3 =	vld.idx.msk [tilespmem:v53+s18+$0x0], $0xffff  }
0x3f: {  	v53 =	vsel vm0, $0x1, v2;
	v44 =	vadd.s32 v56, v44;
	vm0 =	veq.s32 v59, $0x0  }
0x40: {  	v59 =	vmovc v5;
	v5 =	vmovc v11;
	v11 =	vmov v20;
	v20 =	vmov v24;
	v24 =	vmov v28;
	v52 =	vld.idx.msk [tilespmem:v52+s18+$0x0], $0xffff  }
0x41: {  	v44 =	vadd.s32 v47, v44;
	v47 =	vsel vm0, $0x1, v2;
	vm0 =	veq.s32 v60, $0x0;
	v60 =	vmovc v7;
	v51 =	vld.idx.msk [tilespmem:v51+s18+$0x0], $0xffff  }
0x42: {  	vm2 =	veq.s32 v57, $0x0;
	v44 =	vadd.s32 v53, v44;
	vm1 =	veq.s32 v31, $0x0;
	v31 =	vld.idx.msk [tilespmem:v49+s18+$0x0], $0xffff  }
0x43: {  	v44 =	vadd.s32 v47, v44;
	v47 =	vsel vm0, $0x1, v2;
	vm0 =	veq.s32 v55, $0x0;
	v46 =	vld.idx.msk [tilespmem:v46+s18+$0x0], $0xffff  }
0x44: {  	v47 =	vadd.s32 v47, v44;
	v49 =	vsel vm0, $0x1, v2;
	vm0 =	veq.s32 v3, $0x0;
	v3 =	vld.idx.msk [tilespmem:v45+s18+$0x0], $0xffff  }
0x45: {  	v44 =	vor.u32 v6, v0;
	v0 =	vadd.s32 v49, v47;
	v45 =	vsel vm1, $0x1, v2;
	v43 =	vld.idx.msk [tilespmem:v43+s18+$0x0], $0xffff  }
0x46: {  	v0 =	vadd.s32 v45, v0;
	v45 =	vsel vm2, $0x1, v2;
	vm1 =	veq.s32 v52, $0x0;
	v42 =	vld.idx.msk [tilespmem:v42+s18+$0x0], $0xffff  }
0x47: {  	v0 =	vadd.s32 v45, v0;
	v45 =	vsel vm0, $0x1, v2;
	vm0 =	veq.s32 v51, $0x0;
	v41 =	vld.idx.msk [tilespmem:v41+s18+$0x0], $0xffff  }
0x48: {  	v0 =	vadd.s32 v45, v0;
	v45 =	vsel vm1, $0x1, v2;
	vm1 =	veq.s32 v31, $0x0  }
0x49: {  	v31 =	vsel vm0, $0x1, v2;
	v0 =	vadd.s32 v45, v0;
	vm0 =	veq.s32 v46, $0x0  }
0x4a: {  	v0 =	vadd.s32 v31, v0;
	v31 =	vsel vm1, $0x1, v2;
	vm1 =	veq.s32 v3, $0x0  }
0x4b: {  	v3 =	vsel vm0, $0x1, v2;
	v0 =	vadd.s32 v31, v0;
	vm0 =	veq.s32 v43, $0x0  }
0x4c: {  	v0 =	vadd.s32 v3, v0;
	v3 =	vsel vm1, $0x1, v2;
	vm1 =	veq.s32 v42, $0x0  }
0x4d: {  	v0 =	vadd.s32 v3, v0;
	v3 =	vsel vm0, $0x1, v2;
	vm0 =	veq.s32 v41, $0x0  }
0x4e: {  	v31 =	vand.u32 $0xFFFFFFF8, v58;
	v0 =	vadd.s32 v3, v0;
	v3 =	vsel vm1, $0x1, v2  }
0x4f: {  	v41 =	vadd.s32 v15, v32;
	v0 =	vadd.s32 v3, v0;
	v3 =	vsel vm0, $0x1, v2  }
0x50: {  	v47 =	vand.u32 $0xFFFFFFF8, v41;
	v41 =	vadd.s32 v20, v32;
	v0 =	vadd.s32 v3, v0  }
0x51: {  	v3 =	vand.u32 $0xFFFFFFF8, v41;
	v41 =	vadd.s32 v21, v32;
	v42 =	vsub.s32 $0x14, v0  }
0x52: {  	v49 =	vand.u32 $0xFFFFFFF8, v41;
	v41 =	vadd.s32 v22, v32;
	v42 =	vmax.u32 v42, $0x1  }
0x53: {  	v45 =	vand.u32 $0xFFFFFFF8, v41;
	v41 =	vadd.s32 v27, v32;
	v42 =	vcvt.s32.f32 v42  }
0x54: {  	v43 =	vadd.s32 v25, v32;
	v51 =	vand.u32 $0xFFFFFFF8, v41;
	v41 =	vadd.s32 v28, v32  }
0x55: {  	v52 =	vand.u32 $0xFFFFFFF8, v43;
	v46 =	vand.u32 $0xFFFFFFF8, v41;
	(erf) = vrcp.f32 v42  }
0x56: {  	v32 =	vadd.s32 v26, v32  }
0x57: {  	v32 =	vand.u32 $0xFFFFFFF8, v32;
	_ =	sdelay $0x3  }
0x58: {  	v41 =	vor.u32 v8, v32;
	v42 =	vmov s24  }
0x59: {  	v43 =	vor.u32 v4, v46;
	v32 =	vmul.u32 $0x14, v42;
	v42 =	vor.u32 v6, v52  }
.Ltmp0:
0x5a: {  	v55 =	vor.u32 v1, v31;
	v46 =	vor.u32 v16, v45;
	v45 =	vor.u32 v1, v51;
	(pc) =	sbr.rel @p0 .LBB2_3-.Ltmp0, $4  }
0x5b: {  	v0 =	vcvt.s32.f32 v0;
	v49 =	vor.u32 v14, v49;
	v32 =	vbroadcast v32, $0x0;
	v31 =	vpop (erf)  }
0x5c: {  	v53 =	vor.u32 v8, v47;
	v51 =	vor.u32 v12, v3;
	v52 =	vor.u32 v10, v48;
	[tilespmem:s22+$0x0] =	vst v31;
	s22 =	smov.u32 s20  }
0x5d: {  	v3 =	vadd.s32 v59, v32;
	v47 =	vadd.s32 v13, v32;
	v31 =	vadd.s32 v7, v32;
	[tilespmem:s21+$0x0] =	vst v0;
	s21 =	smov.u32 s19  }
0x5e: {  	s25 =	smov.u32 s23;
	v48 =	vand.u32 $0xFFFFFFF8, v3;
	v47 =	vand.u32 $0xFFFFFFF8, v47;
	v54 =	vand.u32 $0xFFFFFFF8, v31;
	v50 =	vld.idx.msk [tilespmem:v50+s18+$0x0], $0xffff  }
0x5f: {  	_ =	sdelay $0x3  }
0x60: {  	v0 =	vld.idx.msk [tilespmem:v37+s18+$0x0], $0xffff  }
0x61: {  	v3 =	vld.idx.msk [tilespmem:v33+s18+$0x0], $0xffff  }
0x62: {  	v31 =	vld.idx.msk [tilespmem:v44+s18+$0x0], $0xffff;
	_ =	sdelay $0x1  }
0x63: {  	v44 =	vld.idx.msk [tilespmem:v38+s18+$0x0], $0xffff;
	v35 =	vor.u32 v4, v35  }
0x64: {  	v34 =	vor.u32 v6, v34;
	v37 =	vld.idx.msk [tilespmem:v39+s18+$0x0], $0xffff  }
0x65: {  	vm0 =	veq.s32 v0, $0x0;
	v0 =	vld.idx.msk [tilespmem:v40+s18+$0x0], $0xffff;
	vm1 =	veq.s32 v3, $0x0  }
0x66: {  	v3 =	vld.idx.msk [tilespmem:v36+s18+$0x0], $0xffff;
	vm14 =	veq.s32 v31, $0x0;
	v56 =	vsel vm1, $0x1, v2;
	v57 =	vsel vm0, $0x1, v2  }
0x67: {  	vm15 =	veq.s32 v50, $0x0;
	v31 =	vld.idx.msk [tilespmem:v55+s18+$0x0], $0xffff;
	v58 =	vsel vm14, $0x1, v2;
	v36 =	vadd.s32 v56, v57  }
0x68: {  	v61 =	vsel vm15, $0x1, v2;
	v35 =	vld.idx.msk [tilespmem:v35+s18+$0x0], $0xffff;
	vm4 =	veq.s32 v44, $0x0;
	v44 =	vadd.s32 v58, v36  }
0x69: {  	v34 =	vld.idx.msk [tilespmem:v34+s18+$0x0], $0xffff;
	vm5 =	veq.s32 v37, $0x0;
	v50 =	vsel vm4, $0x1, v2;
	v33 =	vadd.s32 v61, v44  }
0x6a: {  	v55 =	vld.idx.msk [tilespmem:v53+s18+$0x0], $0xffff;
	v56 =	vsel vm5, $0x1, v2;
	vm6 =	veq.s32 v0, $0x0;
	v0 =	vadd.s32 v50, v33  }
0x6b: {  	v57 =	vld.idx.msk [tilespmem:v52+s18+$0x0], $0xffff;
	vm7 =	veq.s32 v3, $0x0;
	v58 =	vsel vm6, $0x1, v2;
	v0 =	vadd.s32 v56, v0  }
0x6c: {  	v3 =	vld.idx.msk [tilespmem:v51+s18+$0x0], $0xffff;
	vm8 =	veq.s32 v31, $0x0;
	v61 =	vsel vm7, $0x1, v2;
	v0 =	vadd.s32 v58, v0  }
0x6d: {  	vm9 =	veq.s32 v35, $0x0;
	v31 =	vld.idx.msk [tilespmem:v49+s18+$0x0], $0xffff;
	v40 =	vsel vm8, $0x1, v2;
	v0 =	vadd.s32 v61, v0  }
0x6e: {  	v44 =	vld.idx.msk [tilespmem:v46+s18+$0x0], $0xffff;
	vm10 =	veq.s32 v34, $0x0;
	v46 =	vsel vm9, $0x1, v2;
	v0 =	vadd.s32 v40, v0  }
0x6f: {  	vm11 =	veq.s32 v55, $0x0;
	v49 =	vld.idx.msk [tilespmem:v45+s18+$0x0], $0xffff;
	v50 =	vsel vm10, $0x1, v2;
	v0 =	vadd.s32 v46, v0  }
0x70: {  	v51 =	vld.idx.msk [tilespmem:v43+s18+$0x0], $0xffff;
	v52 =	vsel vm11, $0x1, v2;
	vm12 =	veq.s32 v57, $0x0;
	v0 =	vadd.s32 v50, v0  }
0x71: {  	v53 =	vld.idx.msk [tilespmem:v42+s18+$0x0], $0xffff;
	vm13 =	veq.s32 v3, $0x0;
	v3 =	vsel vm12, $0x1, v2;
	v0 =	vadd.s32 v52, v0  }
0x72: {  	v55 =	vld.idx.msk [tilespmem:v41+s18+$0x0], $0xffff;
	vm14 =	veq.s32 v31, $0x0;
	v0 =	vadd.s32 v3, v0;
	v3 =	vsel vm13, $0x1, v2  }
0x73: {  	vm15 =	veq.s32 v44, $0x0;
	v0 =	vadd.s32 v3, v0;
	v3 =	vsel vm14, $0x1, v2  }
0x74: {  	vm4 =	veq.s32 v49, $0x0;
	v0 =	vadd.s32 v3, v0;
	v3 =	vsel vm15, $0x1, v2  }
0x75: {  	vm5 =	veq.s32 v51, $0x0;
	v0 =	vadd.s32 v3, v0;
	v3 =	vsel vm4, $0x1, v2  }
0x76: {  	vm6 =	veq.s32 v53, $0x0;
	v0 =	vadd.s32 v3, v0;
	v3 =	vsel vm5, $0x1, v2  }
0x77: {  	vm7 =	veq.s32 v55, $0x0;
	v0 =	vadd.s32 v3, v0;
	v3 =	vsel vm6, $0x1, v2  }
0x78: {  	v0 =	vadd.s32 v3, v0;
	v3 =	vsel vm7, $0x1, v2  }
0x79: {  	v0 =	vadd.s32 v3, v0  }
0x7a: {  	v3 =	vsub.s32 $0x14, v0  }
0x7b: {  	v3 =	vmax.u32 v3, $0x1  }
0x7c: {  	v3 =	vcvt.s32.f32 v3  }
0x7d: {  	v47 =	vor.u32 v6, v47  }
0x7e: {  	v33 =	vor.u32 v4, v54;
	v45 =	vadd.s32 v63, v32;
	(erf) = vrcp.f32 v3  }
0x7f: {  	v56 =	vadd.s32 v29, v32;
	v39 =	vand.u32 $0xFFFFFFF8, v45;
	v53 =	vadd.s32 v22, v32  }
0x80: {  	v57 =	vadd.s32 v5, v32;
	v34 =	vand.u32 $0xFFFFFFF8, v56;
	v58 =	vadd.s32 v18, v32  }
0x81: {  	v39 =	vor.u32 v14, v39;
	v56 =	vadd.s32 v23, v32;
	v34 =	vor.u32 v10, v34  }
0x82: {  	v61 =	vadd.s32 v62, v32;
	v36 =	vand.u32 $0xFFFFFFF8, v58;
	v35 =	vand.u32 $0xFFFFFFF8, v57  }
0x83: {  	v57 =	vadd.s32 v24, v32;
	v58 =	vadd.s32 v26, v32;
	v44 =	vadd.s32 v17, v32  }
0x84: {  	v35 =	vor.u32 v8, v35;
	v37 =	vand.u32 $0xFFFFFFF8, v61;
	v61 =	vadd.s32 v25, v32  }
0x85: {  	v36 =	vor.u32 v10, v36;
	v31 =	vor.u32 v1, v48;
	v46 =	vadd.s32 v9, v32  }
0x86: {  	v38 =	vand.u32 $0xFFFFFFF8, v44;
	v48 =	vadd.s32 v19, v32;
	v40 =	vand.u32 $0xFFFFFFF8, v46  }
0x87: {  	v37 =	vor.u32 v12, v37;
	v40 =	vor.u32 v6, v40;
	v0 =	vcvt.s32.f32 v0;
	v51 =	vpop (erf)  }
0x88: {  	v49 =	vadd.s32 v15, v32;
	v55 =	vand.u32 $0xFFFFFFF8, v53;
	v38 =	vor.u32 v16, v38;
	[tilespmem:s22+$0x0] =	vst v51  }
0x89: {  	v41 =	vand.u32 $0xFFFFFFF8, v48;
	v42 =	vand.u32 $0xFFFFFFF8, v49;
	v50 =	vadd.s32 v20, v32;
	[tilespmem:s21+$0x0] =	vst v0  }
0x8a: {  	v46 =	vand.u32 $0xFFFFFFF8, v57;
	v48 =	vand.u32 $0xFFFFFFF8, v58;
	v45 =	vor.u32 v16, v55;
	v33 =	vld.idx.msk [tilespmem:v33+s18+$0x0], $0xffff  }
0x8b: {  	v43 =	vand.u32 $0xFFFFFFF8, v50;
	v52 =	vadd.s32 v21, v32;
	v48 =	vor.u32 v8, v48;
	v31 =	vld.idx.msk [tilespmem:v31+s18+$0x0], $0xffff  }
0x8c: {  	v46 =	vor.u32 v4, v46;
	v41 =	vor.u32 v1, v41;
	v3 =	vadd.s32 v11, v32;
	v40 =	vld.idx.msk [tilespmem:v40+s18+$0x0], $0xffff  }
0x8d: {  	v42 =	vor.u32 v8, v42;
	v54 =	vand.u32 $0xFFFFFFF8, v52;
	v3 =	vand.u32 $0xFFFFFFF8, v3;
	v35 =	vld.idx.msk [tilespmem:v35+s18+$0x0], $0xffff  }
0x8e: {  	v43 =	vor.u32 v12, v43;
	v32 =	vand.u32 $0xFFFFFFF8, v61;
	v3 =	vor.u32 v4, v3;
	v34 =	vld.idx.msk [tilespmem:v34+s18+$0x0], $0xffff  }
0x8f: {  	v44 =	vor.u32 v14, v54;
	v32 =	vor.u32 v6, v32;
	v0 =	vand.u32 $0xFFFFFFF8, v56;
	v37 =	vld.idx.msk [tilespmem:v37+s18+$0x0], $0xffff  }
0x90: {  	v0 =	vor.u32 v1, v0;
	vm8 =	veq.s32 v33, $0x0;
	v33 =	vld.idx.msk [tilespmem:v39+s18+$0x0], $0xffff;
	vm9 =	veq.s32 v31, $0x0  }
0x91: {  	v31 =	vld.idx.msk [tilespmem:v38+s18+$0x0], $0xffff;
	vm10 =	veq.s32 v40, $0x0;
	v49 =	vsel vm9, $0x1, v2;
	v50 =	vsel vm8, $0x1, v2  }
0x92: {  	v51 =	vld.idx.msk [tilespmem:v41+s18+$0x0], $0xffff;
	vm11 =	veq.s32 v35, $0x0;
	v53 =	vsel vm10, $0x1, v2;
	v52 =	vadd.s32 v49, v50  }
0x93: {  	v3 =	vld.idx.msk [tilespmem:v3+s18+$0x0], $0xffff;
	vm12 =	veq.s32 v34, $0x0;
	v54 =	vsel vm11, $0x1, v2;
	v55 =	vadd.s32 v53, v52  }
0x94: {  	v56 =	vld.idx.msk [tilespmem:v47+s18+$0x0], $0xffff;
	vm13 =	veq.s32 v37, $0x0;
	v57 =	vsel vm12, $0x1, v2;
	v34 =	vadd.s32 v54, v55  }
0x95: {  	v58 =	vld.idx.msk [tilespmem:v42+s18+$0x0], $0xffff;
	v61 =	vsel vm13, $0x1, v2;
	vm14 =	veq.s32 v33, $0x0;
	v41 =	vadd.s32 v57, v34  }
0x96: {  	v42 =	vld.idx.msk [tilespmem:v36+s18+$0x0], $0xffff;
	vm15 =	veq.s32 v31, $0x0;
	v47 =	vsel vm14, $0x1, v2;
	v31 =	vadd.s32 v61, v41  }
0x97: {  	vm4 =	veq.s32 v51, $0x0;
	v49 =	vld.idx.msk [tilespmem:v43+s18+$0x0], $0xffff;
	v50 =	vsel vm15, $0x1, v2;
	v31 =	vadd.s32 v47, v31  }
0x98: {  	vm5 =	veq.s32 v3, $0x0;
	v3 =	vld.idx.msk [tilespmem:v44+s18+$0x0], $0xffff;
	v51 =	vsel vm4, $0x1, v2;
	v31 =	vadd.s32 v50, v31  }
0x99: {  	vm6 =	veq.s32 v56, $0x0;
	v52 =	vld.idx.msk [tilespmem:v45+s18+$0x0], $0xffff;
	v53 =	vsel vm5, $0x1, v2;
	v31 =	vadd.s32 v51, v31  }
0x9a: {  	vm7 =	veq.s32 v58, $0x0;
	v0 =	vld.idx.msk [tilespmem:v0+s18+$0x0], $0xffff;
	v54 =	vsel vm6, $0x1, v2;
	v31 =	vadd.s32 v53, v31  }
0x9b: {  	vm8 =	veq.s32 v42, $0x0;
	v56 =	vsel vm7, $0x1, v2;
	v55 =	vld.idx.msk [tilespmem:v46+s18+$0x0], $0xffff;
	v31 =	vadd.s32 v54, v31  }
0x9c: {  	v32 =	vld.idx.msk [tilespmem:v32+s18+$0x0], $0xffff;
	v57 =	vsel vm8, $0x1, v2;
	vm9 =	veq.s32 v49, $0x0;
	v31 =	vadd.s32 v56, v31  }
0x9d: {  	v58 =	vld.idx.msk [tilespmem:v48+s18+$0x0], $0xffff;
	vm10 =	veq.s32 v3, $0x0;
	v3 =	vadd.s32 v57, v31;
	v31 =	vsel vm9, $0x1, v2  }
0x9e: {  	vm11 =	veq.s32 v52, $0x0;
	v3 =	vadd.s32 v31, v3;
	v31 =	vsel vm10, $0x1, v2  }
0x9f: {  	vm12 =	veq.s32 v0, $0x0;
	v0 =	vadd.s32 v31, v3;
	v3 =	vsel vm11, $0x1, v2  }
0xa0: {  	vm13 =	veq.s32 v55, $0x0;
	v0 =	vadd.s32 v3, v0;
	v3 =	vsel vm12, $0x1, v2  }
0xa1: {  	vm14 =	veq.s32 v32, $0x0;
	v0 =	vadd.s32 v3, v0;
	v3 =	vsel vm13, $0x1, v2  }
0xa2: {  	vm15 =	veq.s32 v58, $0x0;
	v0 =	vadd.s32 v3, v0;
	v3 =	vsel vm14, $0x1, v2  }
0xa3: {  	v0 =	vadd.s32 v3, v0;
	v3 =	vsel vm15, $0x1, v2  }
0xa4: {  	v0 =	vadd.s32 v3, v0  }
0xa5: {  	v3 =	vsub.s32 $0x14, v0  }
0xa6: {  	v3 =	vmax.u32 v3, $0x1  }
0xa7: {  	v3 =	vcvt.s32.f32 v3;
	_ =	sdelay $0x1  }
0xa8: {  	(erf) = vrcp.f32 v3;
	_ =	sdelay $0x8  }
0xa9: {  	s31 =	sadd.s32 $0x10, s20;
	v0 =	vcvt.s32.f32 v0;
	v3 =	vpop (erf)  }
0xaa: {  	s19 =	sadd.s32 $0x10, s19;
	[tilespmem:s31+$0x0] =	vst v3  }
0xab: {  	v27 =	vld [tilespmem:$0x1FFD0];
	s18 =	simm.s32 $0x640;
	[tilespmem:s19+$0x0] =	vst v0  }
0xac: {  	v0 =	vld [tilespmem:s18+$0xFFFFFF00]  }
0xad: {  	v3 =	vld [tilespmem:s18+$0xFFFFFF20]  }
0xae: {  	v31 =	vld [tilespmem:s18+$0xFFFFFF40]  }
0xaf: {  	v32 =	vld [tilespmem:s18+$0x40]  }
0xb0: {  	v33 =	vld [tilespmem:s18+$0x60]  }
0xb1: {  	v34 =	vld [tilespmem:s18+$0xD0]  }
0xb2: {  	v35 =	vld [tilespmem:s18+$0xF0]  }
0xb3: {  	v36 =	vld [tilespmem:s18+$0x110]  }
0xb4: {  	v37 =	vld [tilespmem:s18+$0x130]  }
0xb5: {  	v38 =	vld [tilespmem:s18+$0xFFFFFEC0]  }
0xb6: {  	v39 =	vld [tilespmem:s18+$0xB0]  }
0xb7: {  	v40 =	vld [tilespmem:s18+$0xFFFFFF50]  }
0xb8: {  	v41 =	vld [tilespmem:s18+$0x50]  }
0xb9: {  	v42 =	vld [tilespmem:s18+$0xFFFFFED0]  }
0xba: {  	v43 =	vld [tilespmem:s18+$0x70]  }
0xbb: {  	v44 =	vld [tilespmem:s18+$0xFFFFFF30]  }
0xbc: {  	v45 =	vld [tilespmem:s18+$0x90]  }
0xbd: {  	v46 =	vld [tilespmem:s18+$0x30]  }
0xbe: {  	v47 =	vld [tilespmem:s18+$0xFFFFFF10]  }
0xbf: {  	v48 =	vld [tilespmem:s18+$0xFFFFFF70]  }
0xc0: {  	v49 =	vld [tilespmem:s18+$0x10]  }
0xc1: {  	v50 =	vld [tilespmem:s18+$0xFFFFFEF0]  }
0xc2: {  	v51 =	vld [tilespmem:s18+$0xFFFFFFF0]  }
0xc3: {  	v52 =	vld [tilespmem:s18+$0x80]  }
0xc4: {  	v53 =	vld [tilespmem:s18+$0xA0]  }
0xc5: {  	v54 =	vld [tilespmem:s18+$0xC0]  }
0xc6: {  	v61 =	vld [tilespmem:s18+$0xE0]  }
0xc7: {  	v56 =	vld [tilespmem:s18+$0xFFFFFF60]  }
0xc8: {  	v57 =	vld [tilespmem:s18+$0xFFFFFF90]  }
0xc9: {  	v58 =	vld [tilespmem:s18+$0xFFFFFFB0]  }
0xca: {  	v55 =	vld [tilespmem:s18+$0xFFFFFFA0];
	v41 =	vadd.f32 v43, v41;
	v43 =	vadd.f32 v44, v47  }
0xcb: {  	v44 =	vld [tilespmem:s18+$0xFFFFFFD0];
	v40 =	vadd.f32 v48, v40;
	v39 =	vadd.f32 v39, v45  }
0xcc: {  	v47 =	vld [tilespmem:s18+$0x20];
	v42 =	vadd.f32 v50, v42;
	v36 =	vadd.f32 v37, v36  }
0xcd: {  	v45 =	vld [tilespmem:s18+$0x0];
	v34 =	vadd.f32 v35, v34;
	v48 =	vadd.f32 v61, v54  }
0xce: {  	v35 =	vld [tilespmem:s18+$0xFFFFFFE0];
	v32 =	vadd.f32 v33, v32;
	v58 =	vadd.f32 v58, v57  }
0xcf: {  	v61 =	vld [tilespmem:s18+$0xFFFFFF80];
	v0 =	vadd.f32 v3, v0;
	v37 =	vadd.f32 v39, v41  }
0xd0: {  	v39 =	vadd.f32 v53, v52;
	v53 =	vld [tilespmem:s18+$0xFFFFFFC0];
	v42 =	vadd.f32 v43, v42  }
0xd1: {  	v33 =	vadd.f32 v58, v40;
	v3 =	vadd.f32 v51, v44;
	v51 =	vld [tilespmem:s18+$0xFFFFFEE0]  }
0xd2: {  	v46 =	vadd.f32 v46, v49;
	v31 =	vadd.f32 v56, v31  }
0xd3: {  	v54 =	vld [tilespmem:s18+$0x100];
	v34 =	vadd.f32 v36, v34;
	v33 =	vadd.f32 v33, v42  }
0xd4: {  	v52 =	vld [tilespmem:s18+$0x120];
	v32 =	vadd.f32 v39, v32;
	v36 =	vadd.f32 v55, v61  }
0xd5: {  	v3 =	vadd.f32 v46, v3;
	v35 =	vadd.f32 v35, v53  }
0xd6: {  	v28 =	vld [tilespmem:$0x1FFF0];
	v53 =	vadd.f32 v47, v45;
	v55 =	vadd.f32 v51, v38  }
0xd7: {  	v56 =	vld.idx.msk [tilespmem:v27+s13+$0x0], $0xffff;
	v31 =	vadd.f32 v36, v31;
	v3 =	vadd.f32 v37, v3  }
0xd8: {  	v58 =	vld.idx.msk [tilespmem:v27+s12+$0x0], $0xffff;
	v35 =	vadd.f32 v53, v35;
	v0 =	vadd.f32 v0, v55  }
0xd9: {  	v27 =	vld [tilespmem:$0x1FFE0];
	v57 =	vadd.f32 v52, v54;
	v3 =	vadd.f32 v3, v33  }
0xda: {  	v0 =	vadd.f32 v31, v0;
	v31 =	vadd.f32 v32, v35  }
0xdb: {  	v33 =	vadd.f32 v57, v48  }
0xdc: {  	v61 =	vmul.f32 v56, v28;
	v3 =	vadd.f32 v34, v3;
	v0 =	vadd.f32 v31, v0;
	_ =	sdelay $0x1  }
0xdd: {  	v3 =	vsub.f32 v3, v61;
	v31 =	vmul.f32 v56, v27;
	v0 =	vadd.f32 v33, v0;
	_ =	sdelay $0x1  }
0xde: {  	v3 =	vmul.f32 v3, v58;
	v0 =	vsub.f32 v0, v31  }
0xdf: {  	s19 =	simm.s32 $0xA510  }
0xe0: {  	s20 =	simm.s32 $0x1;
	[tilespmem:s19+$0x0] =	vst v3;
	v31 =	vmul.f32 v0, v58  }
.LBB2_5:
0xe1: {  	_ = 	snop  }
0xe2: {  	p0 =	sne.s32 s20, $0x3F;
	s18 =	sadd.s32 $0x280, s18;
	[tilespmem:s19+$0xFFFFFFF0] =	vst v31;
	s19 =	sadd.s32 $0x20, s19  }
0xe3: {  	s21 =	smov.u32 s20;
	s20 =	sadd.s32 $0x1, s20;
	v0 =	vld [tilespmem:s18+$0xFFFFFF00]  }
0xe4: {  	v3 =	vld [tilespmem:s18+$0xFFFFFF20]  }
0xe5: {  	v31 =	vld [tilespmem:s18+$0xFFFFFF40]  }
0xe6: {  	v32 =	vld [tilespmem:s18+$0x40]  }
0xe7: {  	v33 =	vld [tilespmem:s18+$0x60]  }
0xe8: {  	v34 =	vld [tilespmem:s18+$0xD0]  }
0xe9: {  	v35 =	vld [tilespmem:s18+$0xF0]  }
0xea: {  	v36 =	vld [tilespmem:s18+$0x110]  }
0xeb: {  	v37 =	vld [tilespmem:s18+$0x130]  }
0xec: {  	v38 =	vld [tilespmem:s18+$0xFFFFFEC0]  }
0xed: {  	v39 =	vld [tilespmem:s18+$0xB0]  }
0xee: {  	v40 =	vld [tilespmem:s18+$0xFFFFFF50]  }
0xef: {  	v41 =	vld [tilespmem:s18+$0x50]  }
0xf0: {  	v42 =	vld [tilespmem:s18+$0xFFFFFED0]  }
0xf1: {  	v43 =	vld [tilespmem:s18+$0x70]  }
0xf2: {  	v44 =	vld [tilespmem:s18+$0xFFFFFF30]  }
0xf3: {  	v45 =	vld [tilespmem:s18+$0x90]  }
0xf4: {  	v46 =	vld [tilespmem:s18+$0x30]  }
0xf5: {  	v47 =	vld [tilespmem:s18+$0xFFFFFF10]  }
0xf6: {  	v48 =	vld [tilespmem:s18+$0xFFFFFF70]  }
0xf7: {  	v49 =	vld [tilespmem:s18+$0x10]  }
0xf8: {  	v50 =	vld [tilespmem:s18+$0xFFFFFEF0]  }
0xf9: {  	v41 =	vadd.f32 v43, v41;
	v43 =	vmov s21;
	v51 =	vld [tilespmem:s18+$0xFFFFFFF0]  }
0xfa: {  	v52 =	vld [tilespmem:s18+$0x80];
	v44 =	vadd.f32 v44, v47  }
0xfb: {  	v47 =	vld [tilespmem:s18+$0xA0];
	v40 =	vadd.f32 v48, v40  }
0xfc: {  	v39 =	vadd.f32 v39, v45;
	v48 =	vld [tilespmem:s18+$0xC0];
	v46 =	vadd.f32 v46, v49  }
0xfd: {  	v45 =	vld [tilespmem:s18+$0xE0];
	v42 =	vadd.f32 v50, v42  }
0xfe: {  	v39 =	vadd.f32 v39, v41;
	v49 =	vld [tilespmem:s18+$0xFFFFFF60]  }
0xff: {  	v36 =	vadd.f32 v37, v36;
	v41 =	vld [tilespmem:s18+$0xFFFFFF90]  }
0x100: {  	v34 =	vadd.f32 v35, v34;
	v37 =	vld [tilespmem:s18+$0xFFFFFFB0]  }
0x101: {  	v35 =	vadd.f32 v47, v52;
	v47 =	vld.idx.msk [tilespmem:v43+s13+$0x0], $0xffff  }
0x102: {  	v34 =	vadd.f32 v36, v34;
	v50 =	vld [tilespmem:s18+$0xFFFFFFD0];
	v45 =	vadd.f32 v45, v48  }
0x103: {  	v32 =	vadd.f32 v33, v32;
	v36 =	vld [tilespmem:s18+$0x20]  }
0x104: {  	v33 =	vld [tilespmem:s18+$0x0]  }
0x105: {  	v48 =	vld [tilespmem:s18+$0xFFFFFFE0];
	v37 =	vadd.f32 v37, v41  }
0x106: {  	v0 =	vadd.f32 v3, v0;
	v41 =	vld [tilespmem:s18+$0xFFFFFFC0]  }
0x107: {  	v3 =	vld [tilespmem:s18+$0xFFFFFFA0];
	v50 =	vadd.f32 v51, v50  }
0x108: {  	v51 =	vld [tilespmem:s18+$0xFFFFFF80]  }
0x109: {  	v52 =	vld [tilespmem:s18+$0xFFFFFEE0];
	v46 =	vadd.f32 v46, v50  }
0x10a: {  	v42 =	vadd.f32 v44, v42;
	v37 =	vadd.f32 v37, v40  }
0x10b: {  	v33 =	vadd.f32 v36, v33;
	v40 =	vld [tilespmem:s18+$0x120];
	v41 =	vadd.f32 v48, v41  }
0x10c: {  	v37 =	vadd.f32 v37, v42;
	v39 =	vadd.f32 v39, v46;
	v36 =	vld [tilespmem:s18+$0x100]  }
0x10d: {  	v3 =	vadd.f32 v3, v51;
	v33 =	vadd.f32 v33, v41;
	v41 =	vmul.f32 v47, v28  }
0x10e: {  	v31 =	vadd.f32 v49, v31;
	v38 =	vadd.f32 v52, v38  }
0x10f: {  	v32 =	vadd.f32 v35, v32;
	v35 =	vadd.f32 v39, v37;
	v37 =	vld.idx.msk [tilespmem:v43+s12+$0x0], $0xffff  }
0x110: {  	v3 =	vadd.f32 v3, v31;
	v0 =	vadd.f32 v0, v38  }
0x111: {  	v34 =	vadd.f32 v34, v35;
	v31 =	vadd.f32 v40, v36  }
0x112: {  	v0 =	vadd.f32 v3, v0;
	v3 =	vadd.f32 v32, v33  }
0x113: {  	v32 =	vsub.f32 v34, v41  }
0x114: {  	v31 =	vadd.f32 v31, v45;
	v0 =	vadd.f32 v3, v0  }
0x115: {  	v3 =	vmul.f32 v32, v37  }
.Ltmp1:
0x116: {  	v0 =	vadd.f32 v31, v0;
	v31 =	vmul.f32 v47, v27;
	(pc) =	sbr.rel @p0 .LBB2_5-.Ltmp1, $3  }
0x117: {  	[tilespmem:s19+$0x0] =	vst v3  }
0x118: {  	v0 =	vsub.f32 v0, v31;
	_ =	sdelay $0x1  }
0x119: {  	v31 =	vmul.f32 v0, v37  }
0x11a: {  	s16 =	sadd.s32 $0x1, s16  }
0x11b: {  	s17 =	sshll.u32 s17, $0x2;
	p0 =	sne.s32 s16, $0x19  }
.Ltmp2:
0x11c: {  	[tilespmem:s19+$0xFFFFFFF0] =	vst v31;
	s17 =	sadd.s32 s2, s17;
	(pc) =	sbr.rel @p0 .LBB2_2-.Ltmp2, $4  }
0x11d: {  	[hbm4b:s17+s4] =	stream.linear.scatter [tilespmem:s14], [sflag:$0x2], $0x800, $0x38;
	[tilespmem:$0xADA0] =	vst v63  }
0x11e: {  	_ =	swait.ge [sflag:s9], $0x800  }
0x11f: {  	[sflag:s9] =	ssyncset.done $0x0  }
0x120: {  	[sflag:s9] =	ssyncadd.s32 $0xFFFFF800  }
0x121: {  	s15 =	sadd.s32 $0x1, s15  }
0x122: {  	p0 =	sne.s32 s15, s7  }
.Ltmp3:
0x123: {  	_ = 	snop;
	(pc) =	sbr.rel @p0 .LBB2_1-.Ltmp3, $1  }
0x124: {  	_ =	sdelay $0x3  }
0x125: {  	_ =	sfence.sel $0x180000  }
0x126: {  	[bflag:$0x0] =	sbarrier.arrive $0xFFFF  }
0x127: {  	p0 =	sne.s32 s3, $0x0;
	_ =	strace $0x90000047  }
0x128: {  	s0 =	sadd.s32 @!p0 $0x100000, s1;
	[bflag:$0x2] =	sbarrier.arrive $0xFFFF  }
0x129: {  	[sflag:s0] =	ssyncadd.tile.s32 @!p0 $0x1;
	_ =	shalt  }
.Lfunc_end2:
_tile_overlayer_lowered:
.L_overlay_start_2:
0x12a: {  	(tag) =	ssettag $0x2  }
0x12b: {  	s0 =	rddreg [dreg:$0x0];
	s2 =	stileid.u32  }
0x12c: {  	s1 =	rddreg [dreg:$0x1];
	p0 =	sne.s32 s2, $0x0  }
0x12d: {  	s3 =	rddreg [dreg:$0x2];
	[bflag:$0x3] =	sbarrier.arrive $0xFFFF;
	s2 =	simm.s32 @!p0 $0x1C02  }
0x12e: {  	[timem:s3], [sflag:s2] =	dma.local @!p0 [hbm:s0], s1  }
0x12f: {  	s0 =	simm.s32 @!p0 $0x2  }
0x130: {  	_ =	swait.ge @!p0 [sflag:s0], s1  }
0x131: {  	s1 =	ssub.s32 @!p0 $0x0, s1;
	[sflag:s0] =	ssyncset.done @!p0 $0x0  }
0x132: {  	[sflag:s0] =	ssyncadd.s32 @!p0 s1  }
0x133: {  	[bflag:$0x3] =	sbarrier.arrive $0xFFFF  }
0x134: {  	_ =	shalt  }

</sc_bundles>
